<compile_context>
chip_gen: v7x
topology: tpu7x:2x2x1
jax: 0.10.2.dev20260603
libtpu: 0.0.44.dev20260713+nightly
codegen_flags: <defaults>
</compile_context>

<pallas_src>
import functools

import jax
import jax.numpy as jnp
from jax import lax
from jax.experimental import pallas as pl
from jax.experimental.pallas import tpu as pltpu
from jax.experimental.pallas import tpu_sc as plsc

N = 10000
E = 320000
D = 128
DH = D // 2

NP = 10240
NC = 2
NS = 16
NW = NC * NS
K = 128
EP = 327680
NB_DEG = EP // NW // K
NB = EP // NW // K
CH = 40
NCH = NB // CH
RPT = NP // NS
DUMP = N

_mesh = plsc.VectorSubcoreMesh(core_axis_name="c", subcore_axis_name="s")


@functools.partial(
    pl.kernel,
    out_type=jax.ShapeDtypeStruct((NC, NP), jnp.float32),
    mesh=_mesh,
    scratch_types=[
        pltpu.VMEM((NB_DEG, K), jnp.int32),
        pltpu.VMEM((K,), jnp.float32),
        pltpu.VMEM_SHARED((NP,), jnp.float32),
        pltpu.SemaphoreType.DMA,
    ],
)
def _degree_kernel(col_hbm, zeros1_hbm, ones_hbm, dpart_hbm,
                   col_v, ones_v, acc_d, sem):
    cid = lax.axis_index("c")
    sid = lax.axis_index("s")
    wid = sid * NC + cid
    pltpu.sync_copy(zeros1_hbm, acc_d.at[pl.ds(sid * RPT, RPT)])
    pltpu.sync_copy(ones_hbm, ones_v)
    pltpu.sync_copy(col_hbm.at[wid], col_v)
    plsc.subcore_barrier()

    def body(j, _):
        pltpu.sync_copy(ones_v, acc_d.at[col_v.at[j]], add=True)
        return ()

    lax.fori_loop(0, NB_DEG, body, ())
    plsc.subcore_barrier()
    pltpu.sync_copy(acc_d.at[pl.ds(sid * RPT, RPT)],
                    dpart_hbm.at[cid, pl.ds(sid * RPT, RPT)])


@functools.partial(
    pl.kernel,
    out_type=jax.ShapeDtypeStruct((NC, NP, D), jnp.float32),
    mesh=_mesh,
    scratch_types=[
        pltpu.VMEM((CH, K), jnp.int32),
        pltpu.VMEM((CH, K), jnp.int32),
        pltpu.VMEM((K, D), jnp.float32),
        pltpu.VMEM((K, D), jnp.float32),
        pltpu.VMEM_SHARED((NP, D), jnp.float32),
        pltpu.SemaphoreType.DMA,
        pltpu.SemaphoreType.DMA,
    ],
)
def _aggregate_kernel(y_hbm, row_hbm, col_hbm, zeros2_hbm,
                      out_hbm, row_v, col_v, buf0, buf1, acc, sem0, sem1):
    cid = lax.axis_index("c")
    sid = lax.axis_index("s")
    wid = sid * NC + cid
    pltpu.sync_copy(zeros2_hbm, acc.at[pl.ds(sid * RPT, RPT)])
    plsc.subcore_barrier()

    def chunk(c, _):
        pltpu.sync_copy(row_hbm.at[wid, c], row_v)
        pltpu.sync_copy(col_hbm.at[wid, c], col_v)

        def body(j, _):
            b0 = 2 * j
            c0 = pltpu.async_copy(y_hbm.at[row_v.at[b0]], buf0, sem0)
            c1 = pltpu.async_copy(y_hbm.at[row_v.at[b0 + 1]], buf1, sem1)
            c0.wait()
            pltpu.sync_copy(buf0, acc.at[col_v.at[b0]], add=True)
            c1.wait()
            pltpu.sync_copy(buf1, acc.at[col_v.at[b0 + 1]], add=True)
            return ()

        lax.fori_loop(0, CH // 2, body, ())
        return ()

    lax.fori_loop(0, NCH, chunk, ())
    plsc.subcore_barrier()
    pltpu.sync_copy(acc.at[pl.ds(sid * RPT, RPT)],
                    out_hbm.at[cid, pl.ds(sid * RPT, RPT)])


def _scale_matmul_body(d0_r, d1_r, x_r, w_r, y_r, dn_r):
    d = d0_r[...] + d1_r[...]
    dn = jnp.where(d > 0.0, lax.rsqrt(d), 0.0)
    xs = x_r[...] * dn[:, None]
    y_r[...] = lax.dot_general(xs, w_r[...], (((1,), (1,)), ((), ())),
                               preferred_element_type=jnp.float32)
    dn_r[...] = dn


BN = 512
_scale_matmul = pl.pallas_call(
    _scale_matmul_body,
    grid=(NP // BN,),
    in_specs=[
        pl.BlockSpec((BN,), lambda i: (i,)),
        pl.BlockSpec((BN,), lambda i: (i,)),
        pl.BlockSpec((BN, D), lambda i: (i, 0)),
        pl.BlockSpec((D, D), lambda i: (0, 0)),
    ],
    out_specs=[
        pl.BlockSpec((BN, D), lambda i: (i, 0)),
        pl.BlockSpec((BN,), lambda i: (i,)),
    ],
    out_shape=[
        jax.ShapeDtypeStruct((NP, D), jnp.float32),
        jax.ShapeDtypeStruct((NP,), jnp.float32),
    ],
)


def _finish_body(dn_r, p0_r, p1_r, b_r, out_r):
    agg = p0_r[...] + p1_r[...]
    out_r[...] = dn_r[...][:, None] * agg + b_r[...][None, :]


_finish = pl.pallas_call(
    _finish_body,
    grid=(NP // BN,),
    in_specs=[
        pl.BlockSpec((BN,), lambda i: (i,)),
        pl.BlockSpec((BN, D), lambda i: (i, 0)),
        pl.BlockSpec((BN, D), lambda i: (i, 0)),
        pl.BlockSpec((D,), lambda i: (0,)),
    ],
    out_specs=pl.BlockSpec((BN, D), lambda i: (i, 0)),
    out_shape=jax.ShapeDtypeStruct((NP, D), jnp.float32),
)


@jax.jit
def kernel(x, edge_index, x0, W, b):
    row = edge_index[0]
    col = edge_index[1]
    pad = EP - E
    row_p = jnp.concatenate([row, jnp.zeros((pad,), jnp.int32)])
    col_p = jnp.concatenate([col, jnp.full((pad,), DUMP, jnp.int32)])
    col3w = col_p.reshape(NW, NB_DEG, K)
    row4 = row_p.reshape(NW, NCH, CH, K)
    col4 = col_p.reshape(NW, NCH, CH, K)
    x_p = jnp.pad(x, ((0, NP - N), (0, 0)))

    zeros1 = jnp.zeros((RPT,), jnp.float32)
    zeros2 = jnp.zeros((RPT, D), jnp.float32)
    ones = jnp.ones((K,), jnp.float32)

    d_part = _degree_kernel(col3w, zeros1, ones)
    y, dn = _scale_matmul(d_part[0], d_part[1], x_p, W)
    parts = _aggregate_kernel(y, row4, col4, zeros2)
    out = _finish(dn, parts[0], parts[1], b)
    return out[:N]

# --- scband reference (transcript-rebuilt; emitter-appended) ---
"""Pipeline reference for scband-graph-conv-28905129902721 (READ-ONLY COPY).

The authoritative reference and input builder live on the scoring server;
editing this copy changes nothing except your own understanding.
"""

import jax, jax.numpy as jnp
import numpy as np

N = 10000
E = 320000
D_IN = 128
D_OUT = 128

def setup_inputs(seed: int = 0):
    key = jax.random.key(seed)
    k1, k2, k3, k4 = jax.random.split(key, 4)
    x = jax.random.normal(k1, (N, D_IN), dtype=jnp.float32)
    x0 = jax.random.normal(k2, (N, D_IN), dtype=jnp.float32)
    edge_index = jax.random.randint(k3, (2, E), 0, N)
    W = jax.random.normal(k4, (D_OUT, D_IN), dtype=jnp.float32) * (1.0 / np.sqrt(D_IN))
    b = jnp.zeros((D_OUT,), dtype=jnp.float32)
    return {"x": x, "edge_index": edge_index, "x0": x0, "W": W, "b": b}

def reference(x, edge_index, x0, W, b):
    # GraphConvLayer.forward with use_init=False, use_weight=True
    n = x.shape[0]
    row = edge_index[0]
    col = edge_index[1]
    # degree(col, N): in-degree per destination node
    d = jnp.bincount(col, length=n).astype(jnp.float32)
    d_norm_in = jnp.sqrt(1.0 / d[col])
    d_norm_out = jnp.sqrt(1.0 / d[row])
    value = d_norm_in * d_norm_out
    value = jnp.nan_to_num(value, nan=0.0, posinf=0.0, neginf=0.0)
    # SparseTensor(row=col, col=row, value) @ x  ==  scatter-add into col of value * x[row]
    msgs = value[:, None] * jnp.take(x, row, axis=0)
    agg = jax.ops.segment_sum(msgs, col, num_segments=n)
    out = agg @ W.T + b
    return out

if __name__ == "__main__":
    import jax
    _d = setup_inputs()
    print(jax.jit(kernel)(*tuple(_d.values())))

</pallas_src>

<mosaic_0001>
#map = affine_map<(d0, d1) -> (0, 0)>
#map1 = affine_map<(d0, d1) -> (0, 0, 0, 0)>
#map2 = affine_map<(d0, d1) -> (0, 0, 0)>
module attributes {stable_mosaic.version = 14 : i64} {
  func.func @_aggregate_kernel(%arg0: i32, %arg1: i32, %arg2: memref<10240x128xf32, #tpu.memory_space<hbm>>, %arg3: memref<32x2x40x128xi32, #tpu.memory_space<hbm>>, %arg4: memref<32x2x40x128xi32, #tpu.memory_space<hbm>>, %arg5: memref<640x128xf32, #tpu.memory_space<hbm>>, %arg6: memref<2x10240x128xf32, #tpu.memory_space<hbm>>, %arg7: memref<40x128xi32, #tpu.memory_space<vmem>>, %arg8: memref<40x128xi32, #tpu.memory_space<vmem>>, %arg9: memref<128x128xf32, #tpu.memory_space<vmem>>, %arg10: memref<128x128xf32, #tpu.memory_space<vmem>>, %arg11: memref<10240x128xf32, #tpu.memory_space<vmem_shared>>, %arg12: memref<!tpu.dma_semaphore, #tpu.memory_space<semaphore_mem>>, %arg13: memref<!tpu.dma_semaphore, #tpu.memory_space<semaphore_mem>>) attributes {dimension_semantics = [#tpu.dimension_semantics<core_parallel>, #tpu.dimension_semantics<subcore_parallel>], iteration_bounds = array<i64: 2, 16>, scalar_prefetch = 0 : i64, scratch_operands = 7 : i64, tpu.core_type = #tpu.core_type<sc_vector_subcore>, window_params = [{transform_indices = #map}, {transform_indices = #map1}, {transform_indices = #map1}, {transform_indices = #map}, {transform_indices = #map2}]} {
    %mul3A = arith.constant 2 : i32
    %mul3A_0 = arith.muli %arg1, %mul3A : i32
    %add3A = arith.addi %mul3A_0, %arg0 : i32
    %mul3A_1 = arith.constant 640 : i32
    %mul3A_2 = arith.muli %arg1, %mul3A_1 : i32
    "tpu.region"() ({
      %run_scoped3A = tpu.sem_alloc : memref<!tpu.dma_semaphore, #tpu.memory_space<semaphore_mem>>
      %dma_start3A = arith.constant 0 : i32
      %dma_start3A_12 = tpu.memref_slice %arg11[%mul3A_2, %dma_start3A] : memref<10240x128xf32, #tpu.memory_space<vmem_shared>> -> memref<640x128xf32, #tpu.memory_space<vmem_shared>>
      tpu.enqueue_dma source(%arg5 : memref<640x128xf32, #tpu.memory_space<hbm>>) target(%dma_start3A_12 : memref<640x128xf32, #tpu.memory_space<vmem_shared>>) target_semaphore(%run_scoped3A : memref<!tpu.dma_semaphore, #tpu.memory_space<semaphore_mem>>)
      %dma_wait3A = arith.constant 0 : i32
      %dma_wait3A_13 = tpu.memref_slice %arg11[%mul3A_2, %dma_wait3A] : memref<10240x128xf32, #tpu.memory_space<vmem_shared>> -> memref<640x128xf32, #tpu.memory_space<vmem_shared>>
      tpu.wait_dma2 semaphore(%run_scoped3A : memref<!tpu.dma_semaphore, #tpu.memory_space<semaphore_mem>>) src(%arg5 : memref<640x128xf32, #tpu.memory_space<hbm>>) dst(%dma_wait3A_13 : memref<640x128xf32, #tpu.memory_space<vmem_shared>>)
      tpu.yield
    }) : () -> ()
    %barrier3A = arith.constant 0 : index
    tpu.barrier barrier_id(%barrier3A)
    %scan3A = arith.constant 0 : i32
    %scan3A_3 = arith.constant 2 : i32
    %scan3A_4 = arith.addi %scan3A, %scan3A_3 : i32
    %scan3A_5 = arith.constant 1 : i32
    scf.for %scan3A_12 = %scan3A to %scan3A_4 step %scan3A_5  : i32 {
      "tpu.region"() ({
        %run_scoped3A = tpu.sem_alloc : memref<!tpu.dma_semaphore, #tpu.memory_space<semaphore_mem>>
        %dma_start3A = arith.constant 0 : i32
        %dma_start3A_18 = arith.constant 0 : i32
        %dma_start3A_19 = tpu.memref_slice %arg3[%add3A, %scan3A_12, %dma_start3A, %dma_start3A_18] : memref<32x2x40x128xi32, #tpu.memory_space<hbm>> -> memref<1x1x40x128xi32, #tpu.memory_space<hbm>>
        %dma_start3A_20 = tpu.memref_squeeze %dma_start3A_19 : memref<1x1x40x128xi32, #tpu.memory_space<hbm>> -> memref<40x128xi32, #tpu.memory_space<hbm>>
        %dma_start3A_21 = arith.constant 0 : i32
        %dma_start3A_22 = arith.constant 0 : i32
        %dma_start3A_23 = tpu.memref_slice %arg3[%add3A, %scan3A_12, %dma_start3A_21, %dma_start3A_22] : memref<32x2x40x128xi32, #tpu.memory_space<hbm>> -> memref<1x1x40x128xi32, #tpu.memory_space<hbm>>
        %dma_start3A_24 = tpu.memref_squeeze %dma_start3A_23 : memref<1x1x40x128xi32, #tpu.memory_space<hbm>> -> memref<40x128xi32, #tpu.memory_space<hbm>>
        tpu.enqueue_dma source(%dma_start3A_24 : memref<40x128xi32, #tpu.memory_space<hbm>>) target(%arg7 : memref<40x128xi32, #tpu.memory_space<vmem>>) target_semaphore(%run_scoped3A : memref<!tpu.dma_semaphore, #tpu.memory_space<semaphore_mem>>)
        %dma_wait3A = arith.constant 0 : i32
        %dma_wait3A_25 = arith.constant 0 : i32
        %dma_wait3A_26 = tpu.memref_slice %arg3[%add3A, %scan3A_12, %dma_wait3A, %dma_wait3A_25] : memref<32x2x40x128xi32, #tpu.memory_space<hbm>> -> memref<1x1x40x128xi32, #tpu.memory_space<hbm>>
        %dma_wait3A_27 = tpu.memref_squeeze %dma_wait3A_26 : memref<1x1x40x128xi32, #tpu.memory_space<hbm>> -> memref<40x128xi32, #tpu.memory_space<hbm>>
        %dma_wait3A_28 = arith.constant 0 : i32
        %dma_wait3A_29 = arith.constant 0 : i32
        %dma_wait3A_30 = tpu.memref_slice %arg3[%add3A, %scan3A_12, %dma_wait3A_28, %dma_wait3A_29] : memref<32x2x40x128xi32, #tpu.memory_space<hbm>> -> memref<1x1x40x128xi32, #tpu.memory_space<hbm>>
        %dma_wait3A_31 = tpu.memref_squeeze %dma_wait3A_30 : memref<1x1x40x128xi32, #tpu.memory_space<hbm>> -> memref<40x128xi32, #tpu.memory_space<hbm>>
        tpu.wait_dma2 semaphore(%run_scoped3A : memref<!tpu.dma_semaphore, #tpu.memory_space<semaphore_mem>>) src(%dma_wait3A_31 : memref<40x128xi32, #tpu.memory_space<hbm>>) dst(%arg7 : memref<40x128xi32, #tpu.memory_space<vmem>>)
        tpu.yield
      }) : () -> ()
      "tpu.region"() ({
        %run_scoped3A = tpu.sem_alloc : memref<!tpu.dma_semaphore, #tpu.memory_space<semaphore_mem>>
        %dma_start3A = arith.constant 0 : i32
        %dma_start3A_18 = arith.constant 0 : i32
        %dma_start3A_19 = tpu.memref_slice %arg4[%add3A, %scan3A_12, %dma_start3A, %dma_start3A_18] : memref<32x2x40x128xi32, #tpu.memory_space<hbm>> -> memref<1x1x40x128xi32, #tpu.memory_space<hbm>>
        %dma_start3A_20 = tpu.memref_squeeze %dma_start3A_19 : memref<1x1x40x128xi32, #tpu.memory_space<hbm>> -> memref<40x128xi32, #tpu.memory_space<hbm>>
        %dma_start3A_21 = arith.constant 0 : i32
        %dma_start3A_22 = arith.constant 0 : i32
        %dma_start3A_23 = tpu.memref_slice %arg4[%add3A, %scan3A_12, %dma_start3A_21, %dma_start3A_22] : memref<32x2x40x128xi32, #tpu.memory_space<hbm>> -> memref<1x1x40x128xi32, #tpu.memory_space<hbm>>
        %dma_start3A_24 = tpu.memref_squeeze %dma_start3A_23 : memref<1x1x40x128xi32, #tpu.memory_space<hbm>> -> memref<40x128xi32, #tpu.memory_space<hbm>>
        tpu.enqueue_dma source(%dma_start3A_24 : memref<40x128xi32, #tpu.memory_space<hbm>>) target(%arg8 : memref<40x128xi32, #tpu.memory_space<vmem>>) target_semaphore(%run_scoped3A : memref<!tpu.dma_semaphore, #tpu.memory_space<semaphore_mem>>)
        %dma_wait3A = arith.constant 0 : i32
        %dma_wait3A_25 = arith.constant 0 : i32
        %dma_wait3A_26 = tpu.memref_slice %arg4[%add3A, %scan3A_12, %dma_wait3A, %dma_wait3A_25] : memref<32x2x40x128xi32, #tpu.memory_space<hbm>> -> memref<1x1x40x128xi32, #tpu.memory_space<hbm>>
        %dma_wait3A_27 = tpu.memref_squeeze %dma_wait3A_26 : memref<1x1x40x128xi32, #tpu.memory_space<hbm>> -> memref<40x128xi32, #tpu.memory_space<hbm>>
        %dma_wait3A_28 = arith.constant 0 : i32
        %dma_wait3A_29 = arith.constant 0 : i32
        %dma_wait3A_30 = tpu.memref_slice %arg4[%add3A, %scan3A_12, %dma_wait3A_28, %dma_wait3A_29] : memref<32x2x40x128xi32, #tpu.memory_space<hbm>> -> memref<1x1x40x128xi32, #tpu.memory_space<hbm>>
        %dma_wait3A_31 = tpu.memref_squeeze %dma_wait3A_30 : memref<1x1x40x128xi32, #tpu.memory_space<hbm>> -> memref<40x128xi32, #tpu.memory_space<hbm>>
        tpu.wait_dma2 semaphore(%run_scoped3A : memref<!tpu.dma_semaphore, #tpu.memory_space<semaphore_mem>>) src(%dma_wait3A_31 : memref<40x128xi32, #tpu.memory_space<hbm>>) dst(%arg8 : memref<40x128xi32, #tpu.memory_space<vmem>>)
        tpu.yield
      }) : () -> ()
      %scan3A_13 = arith.constant 0 : i32
      %scan3A_14 = arith.constant 20 : i32
      %scan3A_15 = arith.addi %scan3A_13, %scan3A_14 : i32
      %scan3A_16 = arith.constant 1 : i32
      scf.for %scan3A_18 = %scan3A_13 to %scan3A_15 step %scan3A_16  : i32 {
        %mul3A_19 = arith.constant 2 : i32
        %mul3A_20 = arith.muli %mul3A_19, %scan3A_18 : i32
        %dma_start3A = arith.constant 0 : i32
        %dma_start3A_21 = tpu.memref_slice %arg7[%mul3A_20, %dma_start3A] : memref<40x128xi32, #tpu.memory_space<vmem>> -> memref<1x128xi32, #tpu.memory_space<vmem>>
        %dma_start3A_22 = tpu.memref_squeeze %dma_start3A_21 : memref<1x128xi32, #tpu.memory_space<vmem>> -> memref<128xi32, #tpu.memory_space<vmem>>
        %dma_start3A_23 = arith.constant 0 : i32
        %dma_start3A_24 = arith.constant 0 : i32
        %dma_start3A_25 = tpu.memref_slice %arg2[%dma_start3A_23, %dma_start3A_24] : memref<10240x128xf32, #tpu.memory_space<hbm>> -> memref<10240x128xf32, #tpu.memory_space<hbm>>
        tpu.enqueue_indirect_dma source(%dma_start3A_25 : memref<10240x128xf32, #tpu.memory_space<hbm>>) target(%arg9 : memref<128x128xf32, #tpu.memory_space<vmem>>) offsets(%dma_start3A_22 : memref<128xi32, #tpu.memory_space<vmem>>) semaphore(%arg12 : memref<!tpu.dma_semaphore, #tpu.memory_space<semaphore_mem>>)
        %add3A_26 = arith.constant 1 : i32
        %add3A_27 = arith.addi %mul3A_20, %add3A_26 : i32
        %dma_start3A_28 = arith.constant 0 : i32
        %dma_start3A_29 = tpu.memref_slice %arg7[%add3A_27, %dma_start3A_28] : memref<40x128xi32, #tpu.memory_space<vmem>> -> memref<1x128xi32, #tpu.memory_space<vmem>>
        %dma_start3A_30 = tpu.memref_squeeze %dma_start3A_29 : memref<1x128xi32, #tpu.memory_space<vmem>> -> memref<128xi32, #tpu.memory_space<vmem>>
        %dma_start3A_31 = arith.constant 0 : i32
        %dma_start3A_32 = arith.constant 0 : i32
        %dma_start3A_33 = tpu.memref_slice %arg2[%dma_start3A_31, %dma_start3A_32] : memref<10240x128xf32, #tpu.memory_space<hbm>> -> memref<10240x128xf32, #tpu.memory_space<hbm>>
        tpu.enqueue_indirect_dma source(%dma_start3A_33 : memref<10240x128xf32, #tpu.memory_space<hbm>>) target(%arg10 : memref<128x128xf32, #tpu.memory_space<vmem>>) offsets(%dma_start3A_30 : memref<128xi32, #tpu.memory_space<vmem>>) semaphore(%arg13 : memref<!tpu.dma_semaphore, #tpu.memory_space<semaphore_mem>>)
        %dma_wait3A = arith.constant 0 : i32
        %dma_wait3A_34 = tpu.memref_slice %arg7[%mul3A_20, %dma_wait3A] : memref<40x128xi32, #tpu.memory_space<vmem>> -> memref<1x128xi32, #tpu.memory_space<vmem>>
        %dma_wait3A_35 = tpu.memref_squeeze %dma_wait3A_34 : memref<1x128xi32, #tpu.memory_space<vmem>> -> memref<128xi32, #tpu.memory_space<vmem>>
        %dma_wait3A_36 = arith.constant 0 : i32
        %dma_wait3A_37 = arith.constant 0 : i32
        %dma_wait3A_38 = tpu.memref_slice %arg2[%dma_wait3A_36, %dma_wait3A_37] : memref<10240x128xf32, #tpu.memory_space<hbm>> -> memref<10240x128xf32, #tpu.memory_space<hbm>>
        tpu.wait_indirect_dma semaphore(%arg12 : memref<!tpu.dma_semaphore, #tpu.memory_space<semaphore_mem>>) src(%dma_wait3A_38 : memref<10240x128xf32, #tpu.memory_space<hbm>>) dst(%arg9 : memref<128x128xf32, #tpu.memory_space<vmem>>)
        "tpu.region"() ({
          %run_scoped3A = tpu.sem_alloc : memref<!tpu.dma_semaphore, #tpu.memory_space<semaphore_mem>>
          %dma_start3A_47 = arith.constant 0 : i32
          %dma_start3A_48 = tpu.memref_slice %arg8[%mul3A_20, %dma_start3A_47] : memref<40x128xi32, #tpu.memory_space<vmem>> -> memref<1x128xi32, #tpu.memory_space<vmem>>
          %dma_start3A_49 = tpu.memref_squeeze %dma_start3A_48 : memref<1x128xi32, #tpu.memory_space<vmem>> -> memref<128xi32, #tpu.memory_space<vmem>>
          %dma_start3A_50 = arith.constant 0 : i32
          %dma_start3A_51 = arith.constant 0 : i32
          %dma_start3A_52 = tpu.memref_slice %arg11[%dma_start3A_50, %dma_start3A_51] : memref<10240x128xf32, #tpu.memory_space<vmem_shared>> -> memref<10240x128xf32, #tpu.memory_space<vmem_shared>>
          tpu.enqueue_indirect_dma source(%arg9 : memref<128x128xf32, #tpu.memory_space<vmem>>) target(%dma_start3A_52 : memref<10240x128xf32, #tpu.memory_space<vmem_shared>>) offsets(%dma_start3A_49 : memref<128xi32, #tpu.memory_space<vmem>>) semaphore(%run_scoped3A : memref<!tpu.dma_semaphore, #tpu.memory_space<semaphore_mem>>) {add = true}
          %dma_wait3A_53 = arith.constant 0 : i32
          %dma_wait3A_54 = tpu.memref_slice %arg8[%mul3A_20, %dma_wait3A_53] : memref<40x128xi32, #tpu.memory_space<vmem>> -> memref<1x128xi32, #tpu.memory_space<vmem>>
          %dma_wait3A_55 = tpu.memref_squeeze %dma_wait3A_54 : memref<1x128xi32, #tpu.memory_space<vmem>> -> memref<128xi32, #tpu.memory_space<vmem>>
          %dma_wait3A_56 = arith.constant 0 : i32
          %dma_wait3A_57 = arith.constant 0 : i32
          %dma_wait3A_58 = tpu.memref_slice %arg11[%dma_wait3A_56, %dma_wait3A_57] : memref<10240x128xf32, #tpu.memory_space<vmem_shared>> -> memref<10240x128xf32, #tpu.memory_space<vmem_shared>>
          tpu.wait_indirect_dma semaphore(%run_scoped3A : memref<!tpu.dma_semaphore, #tpu.memory_space<semaphore_mem>>) src(%arg9 : memref<128x128xf32, #tpu.memory_space<vmem>>) dst(%dma_wait3A_58 : memref<10240x128xf32, #tpu.memory_space<vmem_shared>>)
          tpu.yield
        }) : () -> ()
        %dma_wait3A_39 = arith.constant 0 : i32
        %dma_wait3A_40 = tpu.memref_slice %arg7[%add3A_27, %dma_wait3A_39] : memref<40x128xi32, #tpu.memory_space<vmem>> -> memref<1x128xi32, #tpu.memory_space<vmem>>
        %dma_wait3A_41 = tpu.memref_squeeze %dma_wait3A_40 : memref<1x128xi32, #tpu.memory_space<vmem>> -> memref<128xi32, #tpu.memory_space<vmem>>
        %dma_wait3A_42 = arith.constant 0 : i32
        %dma_wait3A_43 = arith.constant 0 : i32
        %dma_wait3A_44 = tpu.memref_slice %arg2[%dma_wait3A_42, %dma_wait3A_43] : memref<10240x128xf32, #tpu.memory_space<hbm>> -> memref<10240x128xf32, #tpu.memory_space<hbm>>
        tpu.wait_indirect_dma semaphore(%arg13 : memref<!tpu.dma_semaphore, #tpu.memory_space<semaphore_mem>>) src(%dma_wait3A_44 : memref<10240x128xf32, #tpu.memory_space<hbm>>) dst(%arg10 : memref<128x128xf32, #tpu.memory_space<vmem>>)
        %add3A_45 = arith.constant 1 : i32
        %add3A_46 = arith.addi %mul3A_20, %add3A_45 : i32
        "tpu.region"() ({
          %run_scoped3A = tpu.sem_alloc : memref<!tpu.dma_semaphore, #tpu.memory_space<semaphore_mem>>
          %dma_start3A_47 = arith.constant 0 : i32
          %dma_start3A_48 = tpu.memref_slice %arg8[%add3A_46, %dma_start3A_47] : memref<40x128xi32, #tpu.memory_space<vmem>> -> memref<1x128xi32, #tpu.memory_space<vmem>>
          %dma_start3A_49 = tpu.memref_squeeze %dma_start3A_48 : memref<1x128xi32, #tpu.memory_space<vmem>> -> memref<128xi32, #tpu.memory_space<vmem>>
          %dma_start3A_50 = arith.constant 0 : i32
          %dma_start3A_51 = arith.constant 0 : i32
          %dma_start3A_52 = tpu.memref_slice %arg11[%dma_start3A_50, %dma_start3A_51] : memref<10240x128xf32, #tpu.memory_space<vmem_shared>> -> memref<10240x128xf32, #tpu.memory_space<vmem_shared>>
          tpu.enqueue_indirect_dma source(%arg10 : memref<128x128xf32, #tpu.memory_space<vmem>>) target(%dma_start3A_52 : memref<10240x128xf32, #tpu.memory_space<vmem_shared>>) offsets(%dma_start3A_49 : memref<128xi32, #tpu.memory_space<vmem>>) semaphore(%run_scoped3A : memref<!tpu.dma_semaphore, #tpu.memory_space<semaphore_mem>>) {add = true}
          %dma_wait3A_53 = arith.constant 0 : i32
          %dma_wait3A_54 = tpu.memref_slice %arg8[%add3A_46, %dma_wait3A_53] : memref<40x128xi32, #tpu.memory_space<vmem>> -> memref<1x128xi32, #tpu.memory_space<vmem>>
          %dma_wait3A_55 = tpu.memref_squeeze %dma_wait3A_54 : memref<1x128xi32, #tpu.memory_space<vmem>> -> memref<128xi32, #tpu.memory_space<vmem>>
          %dma_wait3A_56 = arith.constant 0 : i32
          %dma_wait3A_57 = arith.constant 0 : i32
          %dma_wait3A_58 = tpu.memref_slice %arg11[%dma_wait3A_56, %dma_wait3A_57] : memref<10240x128xf32, #tpu.memory_space<vmem_shared>> -> memref<10240x128xf32, #tpu.memory_space<vmem_shared>>
          tpu.wait_indirect_dma semaphore(%run_scoped3A : memref<!tpu.dma_semaphore, #tpu.memory_space<semaphore_mem>>) src(%arg10 : memref<128x128xf32, #tpu.memory_space<vmem>>) dst(%dma_wait3A_58 : memref<10240x128xf32, #tpu.memory_space<vmem_shared>>)
          tpu.yield
        }) : () -> ()
      }
      %scan3A_17 = arith.constant 20 : i32
    }
    %scan3A_6 = arith.constant 2 : i32
    %barrier3A_7 = arith.constant 0 : index
    tpu.barrier barrier_id(%barrier3A_7)
    %mul3A_8 = arith.constant 640 : i32
    %mul3A_9 = arith.muli %arg1, %mul3A_8 : i32
    %mul3A_10 = arith.constant 640 : i32
    %mul3A_11 = arith.muli %arg1, %mul3A_10 : i32
    "tpu.region"() ({
      %run_scoped3A = tpu.sem_alloc : memref<!tpu.dma_semaphore, #tpu.memory_space<semaphore_mem>>
      %dma_start3A = arith.constant 0 : i32
      %dma_start3A_12 = tpu.memref_slice %arg6[%arg0, %mul3A_11, %dma_start3A] : memref<2x10240x128xf32, #tpu.memory_space<hbm>> -> memref<1x640x128xf32, #tpu.memory_space<hbm>>
      %dma_start3A_13 = tpu.memref_squeeze %dma_start3A_12 : memref<1x640x128xf32, #tpu.memory_space<hbm>> -> memref<640x128xf32, #tpu.memory_space<hbm>>
      %dma_start3A_14 = arith.constant 0 : i32
      %dma_start3A_15 = tpu.memref_slice %arg11[%mul3A_9, %dma_start3A_14] : memref<10240x128xf32, #tpu.memory_space<vmem_shared>> -> memref<640x128xf32, #tpu.memory_space<vmem_shared>>
      tpu.enqueue_dma source(%dma_start3A_15 : memref<640x128xf32, #tpu.memory_space<vmem_shared>>) target(%dma_start3A_13 : memref<640x128xf32, #tpu.memory_space<hbm>>) target_semaphore(%run_scoped3A : memref<!tpu.dma_semaphore, #tpu.memory_space<semaphore_mem>>)
      %dma_wait3A = arith.constant 0 : i32
      %dma_wait3A_16 = tpu.memref_slice %arg6[%arg0, %mul3A_11, %dma_wait3A] : memref<2x10240x128xf32, #tpu.memory_space<hbm>> -> memref<1x640x128xf32, #tpu.memory_space<hbm>>
      %dma_wait3A_17 = tpu.memref_squeeze %dma_wait3A_16 : memref<1x640x128xf32, #tpu.memory_space<hbm>> -> memref<640x128xf32, #tpu.memory_space<hbm>>
      %dma_wait3A_18 = arith.constant 0 : i32
      %dma_wait3A_19 = tpu.memref_slice %arg11[%mul3A_9, %dma_wait3A_18] : memref<10240x128xf32, #tpu.memory_space<vmem_shared>> -> memref<640x128xf32, #tpu.memory_space<vmem_shared>>
      tpu.wait_dma2 semaphore(%run_scoped3A : memref<!tpu.dma_semaphore, #tpu.memory_space<semaphore_mem>>) src(%dma_wait3A_19 : memref<640x128xf32, #tpu.memory_space<vmem_shared>>) dst(%dma_wait3A_17 : memref<640x128xf32, #tpu.memory_space<hbm>>)
      tpu.yield
    }) : () -> ()
    return
  }
}

#map = affine_map<(d0, d1) -> (0, 0, 0)>
#map1 = affine_map<(d0, d1) -> (0)>
#map2 = affine_map<(d0, d1) -> (0, 0)>
module attributes {stable_mosaic.version = 14 : i64} {
  func.func @_degree_kernel(%arg0: i32, %arg1: i32, %arg2: memref<32x80x128xi32, #tpu.memory_space<hbm>>, %arg3: memref<640xf32, #tpu.memory_space<hbm>>, %arg4: memref<128xf32, #tpu.memory_space<hbm>>, %arg5: memref<2x10240xf32, #tpu.memory_space<hbm>>, %arg6: memref<80x128xi32, #tpu.memory_space<vmem>>, %arg7: memref<128xf32, #tpu.memory_space<vmem>>, %arg8: memref<10240xf32, #tpu.memory_space<vmem_shared>>, %arg9: memref<!tpu.dma_semaphore, #tpu.memory_space<semaphore_mem>>) attributes {dimension_semantics = [#tpu.dimension_semantics<core_parallel>, #tpu.dimension_semantics<subcore_parallel>], iteration_bounds = array<i64: 2, 16>, scalar_prefetch = 0 : i64, scratch_operands = 4 : i64, tpu.core_type = #tpu.core_type<sc_vector_subcore>, window_params = [{transform_indices = #map}, {transform_indices = #map1}, {transform_indices = #map1}, {transform_indices = #map2}]} {
    %mul3A = arith.constant 2 : i32
    %mul3A_0 = arith.muli %arg1, %mul3A : i32
    %add3A = arith.addi %mul3A_0, %arg0 : i32
    %mul3A_1 = arith.constant 640 : i32
    %mul3A_2 = arith.muli %arg1, %mul3A_1 : i32
    "tpu.region"() ({
      %run_scoped3A = tpu.sem_alloc : memref<!tpu.dma_semaphore, #tpu.memory_space<semaphore_mem>>
      %dma_start3A = tpu.memref_slice %arg8[%mul3A_2] : memref<10240xf32, #tpu.memory_space<vmem_shared>> -> memref<640xf32, #tpu.memory_space<vmem_shared>>
      tpu.enqueue_dma source(%arg3 : memref<640xf32, #tpu.memory_space<hbm>>) target(%dma_start3A : memref<640xf32, #tpu.memory_space<vmem_shared>>) target_semaphore(%run_scoped3A : memref<!tpu.dma_semaphore, #tpu.memory_space<semaphore_mem>>)
      %dma_wait3A = tpu.memref_slice %arg8[%mul3A_2] : memref<10240xf32, #tpu.memory_space<vmem_shared>> -> memref<640xf32, #tpu.memory_space<vmem_shared>>
      tpu.wait_dma2 semaphore(%run_scoped3A : memref<!tpu.dma_semaphore, #tpu.memory_space<semaphore_mem>>) src(%arg3 : memref<640xf32, #tpu.memory_space<hbm>>) dst(%dma_wait3A : memref<640xf32, #tpu.memory_space<vmem_shared>>)
      tpu.yield
    }) : () -> ()
    "tpu.region"() ({
      %run_scoped3A = tpu.sem_alloc : memref<!tpu.dma_semaphore, #tpu.memory_space<semaphore_mem>>
      tpu.enqueue_dma source(%arg4 : memref<128xf32, #tpu.memory_space<hbm>>) target(%arg7 : memref<128xf32, #tpu.memory_space<vmem>>) target_semaphore(%run_scoped3A : memref<!tpu.dma_semaphore, #tpu.memory_space<semaphore_mem>>)
      tpu.wait_dma2 semaphore(%run_scoped3A : memref<!tpu.dma_semaphore, #tpu.memory_space<semaphore_mem>>) src(%arg4 : memref<128xf32, #tpu.memory_space<hbm>>) dst(%arg7 : memref<128xf32, #tpu.memory_space<vmem>>)
      tpu.yield
    }) : () -> ()
    "tpu.region"() ({
      %run_scoped3A = tpu.sem_alloc : memref<!tpu.dma_semaphore, #tpu.memory_space<semaphore_mem>>
      %dma_start3A = arith.constant 0 : i32
      %dma_start3A_12 = arith.constant 0 : i32
      %dma_start3A_13 = tpu.memref_slice %arg2[%add3A, %dma_start3A, %dma_start3A_12] : memref<32x80x128xi32, #tpu.memory_space<hbm>> -> memref<1x80x128xi32, #tpu.memory_space<hbm>>
      %dma_start3A_14 = tpu.memref_squeeze %dma_start3A_13 : memref<1x80x128xi32, #tpu.memory_space<hbm>> -> memref<80x128xi32, #tpu.memory_space<hbm>>
      %dma_start3A_15 = arith.constant 0 : i32
      %dma_start3A_16 = arith.constant 0 : i32
      %dma_start3A_17 = tpu.memref_slice %arg2[%add3A, %dma_start3A_15, %dma_start3A_16] : memref<32x80x128xi32, #tpu.memory_space<hbm>> -> memref<1x80x128xi32, #tpu.memory_space<hbm>>
      %dma_start3A_18 = tpu.memref_squeeze %dma_start3A_17 : memref<1x80x128xi32, #tpu.memory_space<hbm>> -> memref<80x128xi32, #tpu.memory_space<hbm>>
      tpu.enqueue_dma source(%dma_start3A_18 : memref<80x128xi32, #tpu.memory_space<hbm>>) target(%arg6 : memref<80x128xi32, #tpu.memory_space<vmem>>) target_semaphore(%run_scoped3A : memref<!tpu.dma_semaphore, #tpu.memory_space<semaphore_mem>>)
      %dma_wait3A = arith.constant 0 : i32
      %dma_wait3A_19 = arith.constant 0 : i32
      %dma_wait3A_20 = tpu.memref_slice %arg2[%add3A, %dma_wait3A, %dma_wait3A_19] : memref<32x80x128xi32, #tpu.memory_space<hbm>> -> memref<1x80x128xi32, #tpu.memory_space<hbm>>
      %dma_wait3A_21 = tpu.memref_squeeze %dma_wait3A_20 : memref<1x80x128xi32, #tpu.memory_space<hbm>> -> memref<80x128xi32, #tpu.memory_space<hbm>>
      %dma_wait3A_22 = arith.constant 0 : i32
      %dma_wait3A_23 = arith.constant 0 : i32
      %dma_wait3A_24 = tpu.memref_slice %arg2[%add3A, %dma_wait3A_22, %dma_wait3A_23] : memref<32x80x128xi32, #tpu.memory_space<hbm>> -> memref<1x80x128xi32, #tpu.memory_space<hbm>>
      %dma_wait3A_25 = tpu.memref_squeeze %dma_wait3A_24 : memref<1x80x128xi32, #tpu.memory_space<hbm>> -> memref<80x128xi32, #tpu.memory_space<hbm>>
      tpu.wait_dma2 semaphore(%run_scoped3A : memref<!tpu.dma_semaphore, #tpu.memory_space<semaphore_mem>>) src(%dma_wait3A_25 : memref<80x128xi32, #tpu.memory_space<hbm>>) dst(%arg6 : memref<80x128xi32, #tpu.memory_space<vmem>>)
      tpu.yield
    }) : () -> ()
    %barrier3A = arith.constant 0 : index
    tpu.barrier barrier_id(%barrier3A)
    %scan3A = arith.constant 0 : i32
    %scan3A_3 = arith.constant 80 : i32
    %scan3A_4 = arith.addi %scan3A, %scan3A_3 : i32
    %scan3A_5 = arith.constant 1 : i32
    scf.for %scan3A_12 = %scan3A to %scan3A_4 step %scan3A_5  : i32 {
      "tpu.region"() ({
        %run_scoped3A = tpu.sem_alloc : memref<!tpu.dma_semaphore, #tpu.memory_space<semaphore_mem>>
        %dma_start3A = arith.constant 0 : i32
        %dma_start3A_13 = tpu.memref_slice %arg6[%scan3A_12, %dma_start3A] : memref<80x128xi32, #tpu.memory_space<vmem>> -> memref<1x128xi32, #tpu.memory_space<vmem>>
        %dma_start3A_14 = tpu.memref_squeeze %dma_start3A_13 : memref<1x128xi32, #tpu.memory_space<vmem>> -> memref<128xi32, #tpu.memory_space<vmem>>
        %dma_start3A_15 = arith.constant 0 : i32
        %dma_start3A_16 = tpu.memref_slice %arg8[%dma_start3A_15] : memref<10240xf32, #tpu.memory_space<vmem_shared>> -> memref<10240xf32, #tpu.memory_space<vmem_shared>>
        tpu.enqueue_indirect_dma source(%arg7 : memref<128xf32, #tpu.memory_space<vmem>>) target(%dma_start3A_16 : memref<10240xf32, #tpu.memory_space<vmem_shared>>) offsets(%dma_start3A_14 : memref<128xi32, #tpu.memory_space<vmem>>) semaphore(%run_scoped3A : memref<!tpu.dma_semaphore, #tpu.memory_space<semaphore_mem>>) {add = true}
        %dma_wait3A = arith.constant 0 : i32
        %dma_wait3A_17 = tpu.memref_slice %arg6[%scan3A_12, %dma_wait3A] : memref<80x128xi32, #tpu.memory_space<vmem>> -> memref<1x128xi32, #tpu.memory_space<vmem>>
        %dma_wait3A_18 = tpu.memref_squeeze %dma_wait3A_17 : memref<1x128xi32, #tpu.memory_space<vmem>> -> memref<128xi32, #tpu.memory_space<vmem>>
        %dma_wait3A_19 = arith.constant 0 : i32
        %dma_wait3A_20 = tpu.memref_slice %arg8[%dma_wait3A_19] : memref<10240xf32, #tpu.memory_space<vmem_shared>> -> memref<10240xf32, #tpu.memory_space<vmem_shared>>
        tpu.wait_indirect_dma semaphore(%run_scoped3A : memref<!tpu.dma_semaphore, #tpu.memory_space<semaphore_mem>>) src(%arg7 : memref<128xf32, #tpu.memory_space<vmem>>) dst(%dma_wait3A_20 : memref<10240xf32, #tpu.memory_space<vmem_shared>>)
        tpu.yield
      }) : () -> ()
    }
    %scan3A_6 = arith.constant 80 : i32
    %barrier3A_7 = arith.constant 0 : index
    tpu.barrier barrier_id(%barrier3A_7)
    %mul3A_8 = arith.constant 640 : i32
    %mul3A_9 = arith.muli %arg1, %mul3A_8 : i32
    %mul3A_10 = arith.constant 640 : i32
    %mul3A_11 = arith.muli %arg1, %mul3A_10 : i32
    "tpu.region"() ({
      %run_scoped3A = tpu.sem_alloc : memref<!tpu.dma_semaphore, #tpu.memory_space<semaphore_mem>>
      %dma_start3A = tpu.memref_slice %arg5[%arg0, %mul3A_11] : memref<2x10240xf32, #tpu.memory_space<hbm>> -> memref<1x640xf32, #tpu.memory_space<hbm>>
      %dma_start3A_12 = tpu.memref_squeeze %dma_start3A : memref<1x640xf32, #tpu.memory_space<hbm>> -> memref<640xf32, #tpu.memory_space<hbm>>
      %dma_start3A_13 = tpu.memref_slice %arg8[%mul3A_9] : memref<10240xf32, #tpu.memory_space<vmem_shared>> -> memref<640xf32, #tpu.memory_space<vmem_shared>>
      tpu.enqueue_dma source(%dma_start3A_13 : memref<640xf32, #tpu.memory_space<vmem_shared>>) target(%dma_start3A_12 : memref<640xf32, #tpu.memory_space<hbm>>) target_semaphore(%run_scoped3A : memref<!tpu.dma_semaphore, #tpu.memory_space<semaphore_mem>>)
      %dma_wait3A = tpu.memref_slice %arg5[%arg0, %mul3A_11] : memref<2x10240xf32, #tpu.memory_space<hbm>> -> memref<1x640xf32, #tpu.memory_space<hbm>>
      %dma_wait3A_14 = tpu.memref_squeeze %dma_wait3A : memref<1x640xf32, #tpu.memory_space<hbm>> -> memref<640xf32, #tpu.memory_space<hbm>>
      %dma_wait3A_15 = tpu.memref_slice %arg8[%mul3A_9] : memref<10240xf32, #tpu.memory_space<vmem_shared>> -> memref<640xf32, #tpu.memory_space<vmem_shared>>
      tpu.wait_dma2 semaphore(%run_scoped3A : memref<!tpu.dma_semaphore, #tpu.memory_space<semaphore_mem>>) src(%dma_wait3A_15 : memref<640xf32, #tpu.memory_space<vmem_shared>>) dst(%dma_wait3A_14 : memref<640xf32, #tpu.memory_space<hbm>>)
      tpu.yield
    }) : () -> ()
    return
  }
}

module attributes {stable_mosaic.version = 14 : i64} {
  func.func @_scale_matmul_body(%arg0: i32, %arg1: memref<512xf32, #tpu.memory_space<vmem>>, %arg2: memref<512xf32, #tpu.memory_space<vmem>>, %arg3: memref<512x128xf32, #tpu.memory_space<vmem>>, %arg4: memref<128x128xf32, #tpu.memory_space<vmem>>, %arg5: memref<512x128xf32, #tpu.memory_space<vmem>>, %arg6: memref<512xf32, #tpu.memory_space<vmem>>) attributes {dimension_semantics = [#tpu.dimension_semantics<arbitrary>], iteration_bounds = array<i64: 20>, scalar_prefetch = 0 : i64, scratch_operands = 0 : i64, tpu.core_type = #tpu.core_type<tc>, window_params = [{transform_indices = @transform_0, window_bounds = array<i64: 512>}, {transform_indices = @transform_1, window_bounds = array<i64: 512>}, {transform_indices = @transform_2, window_bounds = array<i64: 512, 128>}, {pipeline_mode = #tpu.pipeline_mode<synchronous>, transform_indices = @transform_3, window_bounds = array<i64: 128, 128>}, {transform_indices = @transform_4, window_bounds = array<i64: 512, 128>}, {transform_indices = @transform_5, window_bounds = array<i64: 512>}]} {
    %get3A = arith.constant 0 : index
    %get3A_0 = vector.load %arg1[%get3A] : memref<512xf32, #tpu.memory_space<vmem>>, vector<512xf32>
    %get3A_1 = arith.constant 0 : index
    %get3A_2 = vector.load %arg2[%get3A_1] : memref<512xf32, #tpu.memory_space<vmem>>, vector<512xf32>
    %add3A = arith.addf %get3A_0, %get3A_2 : vector<512xf32>
    %gt3A = arith.constant 0.000000e+00 : f32
    %gt3A_3 = vector.broadcast %gt3A : f32 to vector<512xf32>
    %gt3A_4 = arith.cmpf ogt, %add3A, %gt3A_3 : vector<512xf32>
    %rsqrt3A = math.rsqrt %add3A : vector<512xf32>
    %jit3A = arith.constant 0.000000e+00 : f32
    %broadcast_in_dim3A = vector.broadcast %jit3A : f32 to vector<512xf32>
    %select_n3A = arith.select %gt3A_4, %rsqrt3A, %broadcast_in_dim3A : vector<512xi1>, vector<512xf32>
    %get3A_5 = arith.constant 0 : index
    %get3A_6 = arith.constant 0 : index
    %get3A_7 = vector.load %arg3[%get3A_5, %get3A_6] : memref<512x128xf32, #tpu.memory_space<vmem>>, vector<512x128xf32>
    %broadcast_in_dim3A_8 = vector.shape_cast %select_n3A : vector<512xf32> to vector<512x1xf32>
    %mul3A = vector.broadcast %broadcast_in_dim3A_8 : vector<512x1xf32> to vector<512x128xf32>
    %mul3A_9 = arith.mulf %get3A_7, %mul3A : vector<512x128xf32>
    %get3A_10 = arith.constant 0 : index
    %get3A_11 = arith.constant 0 : index
    %get3A_12 = vector.load %arg4[%get3A_10, %get3A_11] : memref<128x128xf32, #tpu.memory_space<vmem>>, vector<128x128xf32>
    %dot_general3A = arith.constant dense<0.000000e+00> : vector<512x128xf32>
    %dot_general3A_13 = tpu.matmul %mul3A_9, %get3A_12, %dot_general3A {dimension_numbers = #tpu.dot_dimension_numbers<[1], [1], [0], [0], [0, 0, 1, 0], [], []>, transpose_lhs_hint = false} : vector<512x128xf32>, vector<128x128xf32>, vector<512x128xf32> -> vector<512x128xf32>
    %swap3A = arith.constant 0 : index
    %swap3A_14 = arith.constant 0 : index
    %swap3A_15 = vector.load %arg5[%swap3A, %swap3A_14] : memref<512x128xf32, #tpu.memory_space<vmem>>, vector<512x128xf32>
    tpu.vector_store %arg5[%swap3A, %swap3A_14], %dot_general3A_13 {strides = array<i32>} : memref<512x128xf32, #tpu.memory_space<vmem>>, vector<512x128xf32>,
    %swap3A_16 = arith.constant 0 : index
    %swap3A_17 = vector.load %arg6[%swap3A_16] : memref<512xf32, #tpu.memory_space<vmem>>, vector<512xf32>
    tpu.vector_store %arg6[%swap3A_16], %select_n3A {strides = array<i32>} : memref<512xf32, #tpu.memory_space<vmem>>, vector<512xf32>,
    return
  }
  func.func @transform_0(%arg0: i32) -> i32 {
    %c0_i32 = arith.constant 0 : i32
    return %arg0 : i32
  }
  func.func @transform_1(%arg0: i32) -> i32 {
    %c0_i32 = arith.constant 0 : i32
    return %arg0 : i32
  }
  func.func @transform_2(%arg0: i32) -> (i32, i32) {
    %c0_i32 = arith.constant 0 : i32
    %c0_i32_0 = arith.constant 0 : i32
    return %arg0, %c0_i32 : i32, i32
  }
  func.func @transform_3(%arg0: i32) -> (i32, i32) {
    %c0_i32 = arith.constant 0 : i32
    %c0_i32_0 = arith.constant 0 : i32
    %c0_i32_1 = arith.constant 0 : i32
    return %c0_i32, %c0_i32_0 : i32, i32
  }
  func.func @transform_4(%arg0: i32) -> (i32, i32) {
    %c0_i32 = arith.constant 0 : i32
    %c0_i32_0 = arith.constant 0 : i32
    return %arg0, %c0_i32 : i32, i32
  }
  func.func @transform_5(%arg0: i32) -> i32 {
    %c0_i32 = arith.constant 0 : i32
    return %arg0 : i32
  }
}

module attributes {stable_mosaic.version = 14 : i64} {
  func.func @_finish_body(%arg0: i32, %arg1: memref<512xf32, #tpu.memory_space<vmem>>, %arg2: memref<512x128xf32, #tpu.memory_space<vmem>>, %arg3: memref<512x128xf32, #tpu.memory_space<vmem>>, %arg4: memref<128xf32, #tpu.memory_space<vmem>>, %arg5: memref<512x128xf32, #tpu.memory_space<vmem>>) attributes {dimension_semantics = [#tpu.dimension_semantics<arbitrary>], iteration_bounds = array<i64: 20>, scalar_prefetch = 0 : i64, scratch_operands = 0 : i64, tpu.core_type = #tpu.core_type<tc>, window_params = [{transform_indices = @transform_0, window_bounds = array<i64: 512>}, {transform_indices = @transform_1, window_bounds = array<i64: 512, 128>}, {transform_indices = @transform_2, window_bounds = array<i64: 512, 128>}, {pipeline_mode = #tpu.pipeline_mode<synchronous>, transform_indices = @transform_3, window_bounds = array<i64: 128>}, {transform_indices = @transform_4, window_bounds = array<i64: 512, 128>}]} {
    %get3A = arith.constant 0 : index
    %get3A_0 = arith.constant 0 : index
    %get3A_1 = vector.load %arg2[%get3A, %get3A_0] : memref<512x128xf32, #tpu.memory_space<vmem>>, vector<512x128xf32>
    %get3A_2 = arith.constant 0 : index
    %get3A_3 = arith.constant 0 : index
    %get3A_4 = vector.load %arg3[%get3A_2, %get3A_3] : memref<512x128xf32, #tpu.memory_space<vmem>>, vector<512x128xf32>
    %add3A = arith.addf %get3A_1, %get3A_4 : vector<512x128xf32>
    %get3A_5 = arith.constant 0 : index
    %get3A_6 = vector.load %arg1[%get3A_5] : memref<512xf32, #tpu.memory_space<vmem>>, vector<512xf32>
    %broadcast_in_dim3A = vector.shape_cast %get3A_6 : vector<512xf32> to vector<512x1xf32>
    %mul3A = vector.broadcast %broadcast_in_dim3A : vector<512x1xf32> to vector<512x128xf32>
    %mul3A_7 = arith.mulf %mul3A, %add3A : vector<512x128xf32>
    %get3A_8 = arith.constant 0 : index
    %get3A_9 = vector.load %arg4[%get3A_8] : memref<128xf32, #tpu.memory_space<vmem>>, vector<128xf32>
    %broadcast_in_dim3A_10 = vector.shape_cast %get3A_9 : vector<128xf32> to vector<1x128xf32>
    %add3A_11 = vector.broadcast %broadcast_in_dim3A_10 : vector<1x128xf32> to vector<512x128xf32>
    %add3A_12 = arith.addf %mul3A_7, %add3A_11 : vector<512x128xf32>
    %swap3A = arith.constant 0 : index
    %swap3A_13 = arith.constant 0 : index
    %swap3A_14 = vector.load %arg5[%swap3A, %swap3A_13] : memref<512x128xf32, #tpu.memory_space<vmem>>, vector<512x128xf32>
    tpu.vector_store %arg5[%swap3A, %swap3A_13], %add3A_12 {strides = array<i32>} : memref<512x128xf32, #tpu.memory_space<vmem>>, vector<512x128xf32>,
    return
  }
  func.func @transform_0(%arg0: i32) -> i32 {
    %c0_i32 = arith.constant 0 : i32
    return %arg0 : i32
  }
  func.func @transform_1(%arg0: i32) -> (i32, i32) {
    %c0_i32 = arith.constant 0 : i32
    %c0_i32_0 = arith.constant 0 : i32
    return %arg0, %c0_i32 : i32, i32
  }
  func.func @transform_2(%arg0: i32) -> (i32, i32) {
    %c0_i32 = arith.constant 0 : i32
    %c0_i32_0 = arith.constant 0 : i32
    return %arg0, %c0_i32 : i32, i32
  }
  func.func @transform_3(%arg0: i32) -> i32 {
    %c0_i32 = arith.constant 0 : i32
    %c0_i32_0 = arith.constant 0 : i32
    return %c0_i32 : i32
  }
  func.func @transform_4(%arg0: i32) -> (i32, i32) {
    %c0_i32 = arith.constant 0 : i32
    %c0_i32_0 = arith.constant 0 : i32
    return %arg0, %c0_i32 : i32, i32
  }
}

</mosaic_0001>

<sc_bundles>
// kernel: kernel.6.cloned.1.call-start
scs
__scs_entry_jumppad:
0x0: {  	(pc) =	sbr.rel $0x88, $3  }
0x1: {  	(tag) =	ssettag $0x0;
	lr =	simm.s32 $0x1  }
0x2: {  	[smem:$0x3F9D] =	sst lr;
	_ =	strace $0xD0000000  }
0x3: {  	_ = 	snop  }
0x4: {  	_ = 	snop  }
0x5: {  	_ = 	snop  }
0x6: {  	_ = 	snop  }
0x7: {  	_ = 	snop  }
__scs_overlays_trampoline_lowered:
0x8: {  	[smem:$0x3FAC] =	sst s0  }
0x9: {  	[smem:$0x3FAD] =	sst s1  }
0xa: {  	[smem:$0x3FAE] =	sst s2  }
0xb: {  	[smem:$0x3FAF] =	sst s3  }
0xc: {  	[smem:$0x3FB0] =	sst s4  }
0xd: {  	[smem:$0x3FB1] =	sst s5  }
0xe: {  	[smem:$0x3FB2] =	sst s6  }
0xf: {  	[smem:$0x3FB3] =	sst s7  }
0x10: {  	[smem:$0x3FB4] =	sst s8  }
0x11: {  	[smem:$0x3FB5] =	sst s9;
	s0 =	simm.s32 @!p0 $0x0  }
0x12: {  	s1 =	sld [smem:$0x3F9B];
	s0 =	simm.s32 @p0 $0x1  }
0x13: {  	[smem:$0x3FB6] =	sst s0;
	s0 =	simm.s32 @!p1 $0x0  }
0x14: {  	s2 =	sld [smem:$0x3F9A];
	s0 =	simm.s32 @p1 $0x1  }
0x15: {  	[smem:$0x3FB7] =	sst s0;
	s0 =	simm.s32 @!p2 $0x0  }
0x16: {  	s3 =	sld [smem:$0x3FDB];
	s0 =	simm.s32 @p2 $0x1  }
0x17: {  	s4 =	simm.s32 $0x1BF5;
	[smem:$0x3FB9] =	sst s0  }
0x18: {  	s0 =	sld [smem:$0x3F9C];
	_ =	swait.ge [sflag:s4], $0x0  }
0x19: {  	s7 =	sld [smem:$0x3F9D]  }
0x1a: {  	s8 =	sadd.s32 $0xFFFFE003, lr  }
0x1b: {  	s9 =	sadd.s32 $0xFFFFFEF7, lr;
	s5 =	simm.s32 $0xFFFFFFFF;
	p2 =	slt.u32 s8, $0xFFFFF086  }
0x1c: {  	p1 =	slt.u32 s9, $0xF7A;
	s5 =	simm.s32 @!p2 $0x0  }
0x1d: {  	s5 =	simm.s32 @p1 $0x1;
	p0 =	seq.s32 s7, s2  }
0x1e: {  	s7 =	smul.u32 @!p0 $0xF7A, s2;
	p2 =	seq.s32 @!p0 s5, $0x0  }
0x1f: {  	s9 =	smul.u32 $0xF7A, s1;
	s8 =	simm.s32 @!p0 $0x1BF5;
	p2 =	por !p2, p0  }
0x20: {  	[sflag:s8] =	ssyncset.s32 @!p0 $0xFFFFF086;
	s6 =	sadd.s32 @!p0 s3, s7;
	s7 =	simm.s32 @!p0 $0x108  }
0x21: {  	s3 =	sadd.s32 s3, s9;
	s6 =	sadd.s32 @!p0 $0x88, s6;
	s7 =	simm.s32 @p2 $0x1082  }
0x22: {  	[simem:s7], [sflag:s8] =	dma.local @!p0 [hbm:s6], $0xF7A  }
0x23: {  	s9 =	sor.u32 $0xD0000000, s2;
	s6 =	simm.s32 $0x108;
	_ =	swait.ge @!p0 [sflag:s8], $0x0  }
0x24: {  	s3 =	sadd.s32 $0x88, s3;
	s6 =	simm.s32 @!p1 $0x1082;
	[sflag:s4] =	ssyncset.s32 $0xFFFFF086  }
0x25: {  	[simem:s6], [sflag:s4] =	dma.local [hbm:s3], $0xF7A  }
0x26: {  	[smem:$0x3F9D] =	sst s1;
	(tag) =	ssettag s2;
	_ =	strace s9  }
0x27: {  	s1 =	sld [smem:$0x3FAD]  }
0x28: {  	s2 =	sld [smem:$0x3FAE]  }
0x29: {  	s4 =	sld [smem:$0x3FB0]  }
0x2a: {  	p0 =	seq.s32 s5, $0x0;
	s5 =	sld [smem:$0x3FB1]  }
0x2b: {  	s6 =	sld [smem:$0x3FB2]  }
0x2c: {  	s7 =	sld [smem:$0x3FB3]  }
0x2d: {  	s3 =	simm.s32 $0x108;
	s8 =	sld [smem:$0x3FB4]  }
0x2e: {  	s3 =	simm.s32 @!p0 $0x1082;
	s9 =	sld [smem:$0x3FB5]  }
0x2f: {  	lr =	sadd.s32 s0, s3;
	s0 =	sld [smem:$0x3FAC]  }
0x30: {  	s3 =	sld [smem:$0x3FAF]  }
0x31: {  	[smem:$0x3FB8] =	sst s10  }
0x32: {  	s10 =	sld [smem:$0x3FB6];
	_ =	sdelay $0x3  }
0x33: {  	p0 =	seq.s32 s10, $0x1;
	s10 =	sld [smem:$0x3FB8];
	_ =	sdelay $0x3  }
0x34: {  	[smem:$0x3FB8] =	sst s10  }
0x35: {  	s10 =	sld [smem:$0x3FB7];
	_ =	sdelay $0x3  }
0x36: {  	p1 =	seq.s32 s10, $0x1;
	s10 =	sld [smem:$0x3FB8];
	_ =	sdelay $0x3  }
0x37: {  	[smem:$0x3FB8] =	sst s10  }
0x38: {  	s10 =	sld [smem:$0x3FB9]  }
0x39: {  	_ = 	snop;
	(pc) =	sbr.ind lr, $3  }
0x3a: {  	_ = 	snop  }
0x3b: {  	_ = 	snop  }
0x3c: {  	p2 =	seq.s32 s10, $0x1;
	s10 =	sld [smem:$0x3FB8]  }
0x3d: {  	_ =	shalt  }
0x3e: {  	_ =	shalt  }
0x3f: {  	_ =	shalt  }
0x40: {  	_ =	shalt  }
0x41: {  	_ =	shalt  }
0x42: {  	_ =	shalt  }
0x43: {  	_ =	shalt  }
0x44: {  	_ =	shalt  }
0x45: {  	_ =	shalt  }
0x46: {  	_ =	shalt  }
0x47: {  	_ =	shalt  }
0x48: {  	_ =	shalt  }
0x49: {  	_ =	shalt  }
0x4a: {  	_ =	shalt  }
0x4b: {  	_ =	shalt  }
0x4c: {  	_ =	shalt  }
0x4d: {  	_ =	shalt  }
0x4e: {  	_ =	shalt  }
0x4f: {  	_ =	shalt  }
0x50: {  	_ =	shalt  }
0x51: {  	_ =	shalt  }
0x52: {  	_ =	shalt  }
0x53: {  	_ =	shalt  }
0x54: {  	_ =	shalt  }
0x55: {  	_ =	shalt  }
0x56: {  	_ =	shalt  }
0x57: {  	_ =	shalt  }
0x58: {  	_ =	shalt  }
0x59: {  	_ =	shalt  }
0x5a: {  	_ =	shalt  }
0x5b: {  	_ =	shalt  }
0x5c: {  	_ =	shalt  }
0x5d: {  	_ =	shalt  }
0x5e: {  	_ =	shalt  }
0x5f: {  	_ =	shalt  }
0x60: {  	_ =	shalt  }
0x61: {  	_ =	shalt  }
0x62: {  	_ =	shalt  }
0x63: {  	_ =	shalt  }
0x64: {  	_ =	shalt  }
0x65: {  	_ =	shalt  }
0x66: {  	_ =	shalt  }
0x67: {  	_ =	shalt  }
0x68: {  	_ =	shalt  }
0x69: {  	_ =	shalt  }
0x6a: {  	_ =	shalt  }
0x6b: {  	_ =	shalt  }
0x6c: {  	_ =	shalt  }
0x6d: {  	_ =	shalt  }
0x6e: {  	_ =	shalt  }
0x6f: {  	_ =	shalt  }
0x70: {  	_ =	shalt  }
0x71: {  	_ =	shalt  }
0x72: {  	_ =	shalt  }
0x73: {  	_ =	shalt  }
0x74: {  	_ =	shalt  }
0x75: {  	_ =	shalt  }
0x76: {  	_ =	shalt  }
0x77: {  	_ =	shalt  }
0x78: {  	_ =	shalt  }
0x79: {  	_ =	shalt  }
0x7a: {  	_ =	shalt  }
0x7b: {  	_ =	shalt  }
0x7c: {  	_ =	shalt  }
0x7d: {  	_ =	shalt  }
0x7e: {  	_ =	shalt  }
0x7f: {  	_ =	shalt  }
0x80: {  	_ =	shalt  }
0x81: {  	_ =	shalt  }
0x82: {  	_ =	shalt  }
0x83: {  	_ =	shalt  }
0x84: {  	_ =	shalt  }
0x85: {  	_ =	shalt  }
0x86: {  	_ =	shalt  }
0x87: {  	_ =	shalt  }
.Lfunc_end0:
.L_simem_size_0:
called_computation_lowered:
.L_overlay_start_0:
0x88: {  	s2 =	sld [smem:$0x3FD9]  }
0x89: {  	s3 =	sld [smem:$0x3FFE];
	_ =	sdelay $0x1  }
0x8a: {  	s1 =	srdreg.scid  }
0x8b: {  	s0 =	sand.u32 $0x1, s1  }
0x8c: {  	s17 =	sshll.u32 s0, $0xA;
	s2 =	sadd.s32 s3, s2  }
0x8d: {  	s2 =	sadd.s32 s2, s17  }
0x8e: {  	[smem:$0x3FC4] =	sst s2  }
0x8f: {  	_ = 	snop  }
0x90: {  	s2 =	sld [smem:$0x3FD0];
	(tm) =	ssettm $0x1  }
0x91: {  	s18 =	sld [smem:$0x3FFB];
	_ =	sdelay $0x3  }
0x92: {  	_ =	strace s18  }
0x93: {  	s3 =	sld [smem:$0x3FFC];
	_ =	sdelay $0x3  }
0x94: {  	_ =	strace s3  }
0x95: {  	s3 =	sld [smem:$0x3FFD];
	_ =	sdelay $0x3  }
0x96: {  	_ =	strace s3  }
0x97: {  	_ =	strace $0x8FFFFFFF  }
0x98: {  	s19 =	sld [smem:$0x3FDB];
	_ =	sdelay $0x1  }
0x99: {  	s4 =	simm.s32 $_scs_section_size  }
0x9a: {  	s5 =	simm.s32 $_size__tile_overlayer_lowered;
	s6 =	simm.s32 $_tile_overlayer_lowered  }
0x9b: {  	s22 =	simm.s32 $0x1BFF;
	s21 =	sshll.u32 s6, $0x1;
	s3 =	sadd.s32 s4, s19  }
0x9c: {  	s7 =	simm.s32 $0x0;
	s20 =	sshll.u32 s5, $0x1;
	s5 =	sadd.s32 s21, s3  }
0x9d: {  	[timem:s7], [sflag:s22] =	dma.local [hbm:s5], s20  }
0x9e: {  	_ =	swait.ge [sflag:s22], s20  }
0x9f: {  	s4 =	ssub.s32 $0x0, s20;
	[sflag:s22] =	ssyncset.done $0x0  }
0xa0: {  	[sflag:s22] =	ssyncadd.s32 s4;
	_ =	sdelay $0x1  }
0xa1: {  	s23 =	simm.s32 $0x1B8B  }
0xa2: {  	_ =	swait.ge [sflag:s23], $0x1  }
0xa3: {  	[sflag:s23] =	ssyncset.done $0x0  }
0xa4: {  	s25 =	simm.s32 $0x1B8E;
	s24 =	sld [smem:$0x3FFE];
	[sflag:s23] =	ssyncadd.s32 $0xFFFFFFFF  }
0xa5: {  	s26 =	simm.s32 $execute0_lowered;
	[smem:$0x3FD2] =	sst s25  }
0xa6: {  	s5 =	sshll.u32 s26, $0x1;
	_ =	strace $0x80000046;
	[dreg:$0x1] =	wrdreg $0xFFFFFFFF  }
0xa7: {  	s28 =	simm.s32 $_size_execute0_lowered;
	s3 =	sadd.s32 s3, s5;
	[dreg:$0x0] =	wrdreg $0x0  }
0xa8: {  	s5 =	sshll.u32 s28, $0x1;
	[dreg:$0x2] =	wrdreg s3  }
0xa9: {  	[dreg:$0x3] =	wrdreg s5  }
0xaa: {  	[dreg:$0x4] =	wrdreg $0xC0  }
0xab: {  	_ =	task [dreg:s7], $0x5FFFF  }
0xac: {  	[dreg:$0x1] =	wrdreg $0xFFFFFFFF  }
0xad: {  	[dreg:$0x0] =	wrdreg $0x60  }
0xae: {  	[dreg:$0x2] =	wrdreg s2  }
0xaf: {  	[dreg:$0x3] =	wrdreg s24  }
0xb0: {  	[dreg:$0x4] =	wrdreg $0x28800  }
0xb1: {  	[dreg:$0x5] =	wrdreg $0x9  }
0xb2: {  	_ =	task.clear_ibuf [dreg:s7], $0x6FFFF;
	_ =	strace $0x90000046  }
0xb3: {  	s29 =	simm.s32 $0x9;
	_ =	strace $0x80000048  }
0xb4: {  	_ =	swait.ge [sflag:s29], $0x1  }
0xb5: {  	[sflag:s29] =	ssyncadd.s32 $0xFFFFFFFF  }
0xb6: {  	_ =	strace $0x90000048  }
0xb7: {  	_ =	sfence  }
0xb8: {  	s30 =	sld [smem:$0x0];
	_ =	sdelay $0x2  }
0xb9: {  	s31 =	sshll.u32 s1, $0xD;
	s1 =	sshrl.u32 s1, $0x2  }
0xba: {  	s3 =	sand.u32 $0x4000, s31;
	s1 =	sadd.s32 s1, s30  }
0xbb: {  	s0 =	sor.u32 s3, s0;
	s1 =	sshll.u32 s1, $0x11  }
0xbc: {  	s0 =	sor.u32 s1, s0  }
0xbd: {  	s0 =	sadd.s32 $0x8F2B, s0  }
0xbe: {  	[sflag:s0] =	ssyncadd.remote.s32 $0x1  }
0xbf: {  	_ =	sfence.sel $0xFFFF  }
0xc0: {  	[dreg:$0x0] =	wrdreg $0xFFFFFFFF;
	(pc) =	sbr.abs _section_cstart, $3  }
0xc1: {  	[dreg:$0x1] =	wrdreg $0xFFFFFFFF  }
0xc2: {  	_ =	task.clear_ibuf [dreg:s7], $0x2FFFF;
	_ =	strace $0x9FFFFFFF  }
0xc3: {  	(tm) =	ssettm $0x7FFFFFFF  }
tec
execute0_lowered:
.L_overlay_start_1:
0x0: {  	(tag) =	ssettag $0x1  }
0x1: {  	s7 =	rddreg [dreg:$0x0]  }
0x2: {  	s6 =	rddreg [dreg:$0x1]  }
0x3: {  	s2 =	rddreg [dreg:$0x2]  }
0x4: {  	s0 =	rddreg [dreg:$0x3];
	s4 =	srdreg.scid  }
0x5: {  	s1 =	stileid.u32;
	s3 =	simm.s32 $0x0;
	s13 =	simm.s32 $0x80  }
0x6: {  	s14 =	simm.s32 $0x20;
	s15 =	simm.s32 $0x10;
	s16 =	simm.s32 $0x0  }
0x7: {  	s8 =	sand.u32 $0x1, s4;
	s5 =	smul.u32 $0x500, s1;
	[smem:$0x7FF] =	sst s3  }
0x8: {  	s4 =	sadd.s32 $0x1000, s6;
	s10 =	sshll.u32 s1, $0x1;
	s12 =	smul.u32 $0xA00, s1  }
0x9: {  	s31 =	sshll.u32 s1, $0x6;
	s9 =	sshll.u32 s8, $0x7;
	_ =	strace $0x80000047  }
0xa: {  	s11 =	ssub.s32 $0x2, s8;
	s8 =	sor.u32 s8, s10;
	s9 =	sor.u32 s9, s5  }
0xb: {  	s5 =	sadd.s32 $0xE00, s6;
	s28 =	sshrl.u32 s11, $0x1;
	s8 =	smul.u32 $0x500, s8  }
0xc: {  	s30 =	sshrl.u32 s12, $0x2;
	s9 =	sshrl.u32 s9, $0x3;
	s29 =	ssub.s32 s11, s28  }
0xd: {  	s12 =	sadd.s32 s30, s2;
	s11 =	simm.s32 $0x1;
	s9 =	sadd.s32 s9, s6  }
0xe: {  	s6 =	sor.u32 $0x1C01, s31;
	s7 =	sadd.s32 s7, s8;
	s10 =	sshrl.u32 s12, $0x3  }
0xf: {  	s12 =	simm.s32 $0x2800;
	s8 =	sadd.s32 $0x1200, s9;
	s9 =	smax.u32 s29, $0x1  }
.LBB2_1:
0x10: {  	[spmem:s10], [sflag:s6] =	dma.local [hbm:s4], $0x50  }
0x11: {  	_ =	swait.ge [sflag:s11], $0x50  }
0x12: {  	[sflag:s11] =	ssyncset.done $0x0  }
0x13: {  	[sflag:s11] =	ssyncadd.s32 $0xFFFFFFB0  }
0x14: {  	[tilespmem:s12], [sflag:$0x1] =	stream.linear.gather [hbm4b:s5+s3], $0x80, $0x38;
	[tilespmem:$0x2B00] =	vst v63  }
0x15: {  	_ =	swait.ge [sflag:s11], $0x80  }
0x16: {  	[sflag:s11] =	ssyncset.done $0x0  }
0x17: {  	[sflag:s11] =	ssyncadd.s32 $0xFFFFFF80  }
0x18: {  	[tilespmem:s3], [sflag:$0x1] =	stream.linear.gather [hbm4b:s7+s3], $0x2800, $0x38;
	[tilespmem:$0x2B00] =	vst v63  }
0x19: {  	_ =	swait.ge [sflag:s11], $0x2800  }
0x1a: {  	[sflag:s11] =	ssyncset.done $0x0  }
0x1b: {  	[sflag:s11] =	ssyncadd.s32 $0xFFFFD800  }
0x1c: {  	s17 =	simm.s32 $0x0;
	[bflag:$0x0] =	sbarrier.arrive $0xFFFF  }
0x1d: {  	[spmem:s2] =	stream.indirect.scatter.add.f32 [tilespmem:s12], [sflag:$0x1], $0x1, s17, s13, $0xb8;
	[tilespmem:$0x2B00] =	vst v63  }
0x1e: {  	_ =	swait.ge [sflag:s11], $0x80  }
0x1f: {  	s17 =	simm.s32 $0x200;
	[sflag:s11] =	ssyncset.done $0x0  }
.LBB2_2:
0x20: {  	s18 =	sshra.s32 s17, $0x2;
	[sflag:s11] =	ssyncadd.s32 $0xFFFFFF80;
	p0 =	sne.s32 s17, $0x9E00  }
0x21: {  	[spmem:s2] =	stream.indirect.scatter.add.f32 [tilespmem:s12], [sflag:$0x1], $0x1, s18, s13, $0xb8;
	[tilespmem:$0x2B00] =	vst v63  }
.Ltmp0:
0x22: {  	_ = 	snop;
	(pc) =	sbr.rel @p0 .LBB2_2-.Ltmp0, $4  }
0x23: {  	_ = 	snop  }
0x24: {  	s17 =	sadd.s32 $0x200, s17  }
0x25: {  	_ =	swait.ge [sflag:s11], $0x80  }
0x26: {  	[sflag:s11] =	ssyncset.done $0x0  }
0x27: {  	s16 =	sadd.s32 $0x1, s16  }
0x28: {  	[sflag:s11] =	ssyncadd.s32 $0xFFFFFF80;
	p0 =	sne.s32 s16, s9  }
.Ltmp1:
0x29: {  	[bflag:$0x0] =	sbarrier.arrive $0xFFFF;
	(pc) =	sbr.rel @p0 .LBB2_1-.Ltmp1, $4  }
0x2a: {  	[hbm:s8@s14], [sflag:s6] =	dma.strided [spmem:s10@s15], $0x50, s11, $0x10   }
0x2b: {  	_ =	swait.ge [sflag:s11], $0x50  }
0x2c: {  	[sflag:s11] =	ssyncset.done $0x0  }
0x2d: {  	[sflag:s11] =	ssyncadd.s32 $0xFFFFFFB0  }
0x2e: {  	_ =	sfence.sel $0x180000  }
0x2f: {  	[bflag:$0x0] =	sbarrier.arrive $0xFFFF  }
0x30: {  	p0 =	sne.s32 s1, $0x0;
	_ =	strace $0x90000047  }
0x31: {  	s0 =	sadd.s32 @!p0 $0x100000, s0;
	[bflag:$0x2] =	sbarrier.arrive $0xFFFF  }
0x32: {  	[sflag:s0] =	ssyncadd.tile.s32 @!p0 $0x1;
	_ =	shalt  }
.Lfunc_end2:
_tile_overlayer_lowered:
.L_overlay_start_2:
0x33: {  	(tag) =	ssettag $0x2  }
0x34: {  	s0 =	rddreg [dreg:$0x0];
	s2 =	stileid.u32  }
0x35: {  	s1 =	rddreg [dreg:$0x1];
	p0 =	sne.s32 s2, $0x0  }
0x36: {  	s3 =	rddreg [dreg:$0x2];
	[bflag:$0x3] =	sbarrier.arrive $0xFFFF;
	s2 =	simm.s32 @!p0 $0x1C01  }
0x37: {  	[timem:s3], [sflag:s2] =	dma.local @!p0 [hbm:s0], s1  }
0x38: {  	s0 =	simm.s32 @!p0 $0x1  }
0x39: {  	_ =	swait.ge @!p0 [sflag:s0], s1  }
0x3a: {  	s1 =	ssub.s32 @!p0 $0x0, s1;
	[sflag:s0] =	ssyncset.done @!p0 $0x0  }
0x3b: {  	[sflag:s0] =	ssyncadd.s32 @!p0 s1  }
0x3c: {  	[bflag:$0x3] =	sbarrier.arrive $0xFFFF  }
0x3d: {  	_ =	shalt  }

// kernel: kernel.9.cloned.1.call-start
scs
__scs_entry_jumppad:
0x0: {  	(pc) =	sbr.rel $0x88, $3  }
0x1: {  	(tag) =	ssettag $0x0;
	lr =	simm.s32 $0x1  }
0x2: {  	[smem:$0x3F9D] =	sst lr;
	_ =	strace $0xD0000000  }
0x3: {  	_ = 	snop  }
0x4: {  	_ = 	snop  }
0x5: {  	_ = 	snop  }
0x6: {  	_ = 	snop  }
0x7: {  	_ = 	snop  }
__scs_overlays_trampoline_lowered:
0x8: {  	[smem:$0x3FAC] =	sst s0  }
0x9: {  	[smem:$0x3FAD] =	sst s1  }
0xa: {  	[smem:$0x3FAE] =	sst s2  }
0xb: {  	[smem:$0x3FAF] =	sst s3  }
0xc: {  	[smem:$0x3FB0] =	sst s4  }
0xd: {  	[smem:$0x3FB1] =	sst s5  }
0xe: {  	[smem:$0x3FB2] =	sst s6  }
0xf: {  	[smem:$0x3FB3] =	sst s7  }
0x10: {  	[smem:$0x3FB4] =	sst s8  }
0x11: {  	[smem:$0x3FB5] =	sst s9;
	s0 =	simm.s32 @!p0 $0x0  }
0x12: {  	s1 =	sld [smem:$0x3F9B];
	s0 =	simm.s32 @p0 $0x1  }
0x13: {  	[smem:$0x3FB6] =	sst s0;
	s0 =	simm.s32 @!p1 $0x0  }
0x14: {  	s2 =	sld [smem:$0x3F9A];
	s0 =	simm.s32 @p1 $0x1  }
0x15: {  	[smem:$0x3FB7] =	sst s0;
	s0 =	simm.s32 @!p2 $0x0  }
0x16: {  	s3 =	sld [smem:$0x3FDB];
	s0 =	simm.s32 @p2 $0x1  }
0x17: {  	s4 =	simm.s32 $0x1BF5;
	[smem:$0x3FB9] =	sst s0  }
0x18: {  	s0 =	sld [smem:$0x3F9C];
	_ =	swait.ge [sflag:s4], $0x0  }
0x19: {  	s7 =	sld [smem:$0x3F9D]  }
0x1a: {  	s8 =	sadd.s32 $0xFFFFE003, lr  }
0x1b: {  	s9 =	sadd.s32 $0xFFFFFEF7, lr;
	s5 =	simm.s32 $0xFFFFFFFF;
	p2 =	slt.u32 s8, $0xFFFFF086  }
0x1c: {  	p1 =	slt.u32 s9, $0xF7A;
	s5 =	simm.s32 @!p2 $0x0  }
0x1d: {  	s5 =	simm.s32 @p1 $0x1;
	p0 =	seq.s32 s7, s2  }
0x1e: {  	s7 =	smul.u32 @!p0 $0xF7A, s2;
	p2 =	seq.s32 @!p0 s5, $0x0  }
0x1f: {  	s9 =	smul.u32 $0xF7A, s1;
	s8 =	simm.s32 @!p0 $0x1BF5;
	p2 =	por !p2, p0  }
0x20: {  	[sflag:s8] =	ssyncset.s32 @!p0 $0xFFFFF086;
	s6 =	sadd.s32 @!p0 s3, s7;
	s7 =	simm.s32 @!p0 $0x108  }
0x21: {  	s3 =	sadd.s32 s3, s9;
	s6 =	sadd.s32 @!p0 $0x88, s6;
	s7 =	simm.s32 @p2 $0x1082  }
0x22: {  	[simem:s7], [sflag:s8] =	dma.local @!p0 [hbm:s6], $0xF7A  }
0x23: {  	s9 =	sor.u32 $0xD0000000, s2;
	s6 =	simm.s32 $0x108;
	_ =	swait.ge @!p0 [sflag:s8], $0x0  }
0x24: {  	s3 =	sadd.s32 $0x88, s3;
	s6 =	simm.s32 @!p1 $0x1082;
	[sflag:s4] =	ssyncset.s32 $0xFFFFF086  }
0x25: {  	[simem:s6], [sflag:s4] =	dma.local [hbm:s3], $0xF7A  }
0x26: {  	[smem:$0x3F9D] =	sst s1;
	(tag) =	ssettag s2;
	_ =	strace s9  }
0x27: {  	s1 =	sld [smem:$0x3FAD]  }
0x28: {  	s2 =	sld [smem:$0x3FAE]  }
0x29: {  	s4 =	sld [smem:$0x3FB0]  }
0x2a: {  	p0 =	seq.s32 s5, $0x0;
	s5 =	sld [smem:$0x3FB1]  }
0x2b: {  	s6 =	sld [smem:$0x3FB2]  }
0x2c: {  	s7 =	sld [smem:$0x3FB3]  }
0x2d: {  	s3 =	simm.s32 $0x108;
	s8 =	sld [smem:$0x3FB4]  }
0x2e: {  	s3 =	simm.s32 @!p0 $0x1082;
	s9 =	sld [smem:$0x3FB5]  }
0x2f: {  	lr =	sadd.s32 s0, s3;
	s0 =	sld [smem:$0x3FAC]  }
0x30: {  	s3 =	sld [smem:$0x3FAF]  }
0x31: {  	[smem:$0x3FB8] =	sst s10  }
0x32: {  	s10 =	sld [smem:$0x3FB6];
	_ =	sdelay $0x3  }
0x33: {  	p0 =	seq.s32 s10, $0x1;
	s10 =	sld [smem:$0x3FB8];
	_ =	sdelay $0x3  }
0x34: {  	[smem:$0x3FB8] =	sst s10  }
0x35: {  	s10 =	sld [smem:$0x3FB7];
	_ =	sdelay $0x3  }
0x36: {  	p1 =	seq.s32 s10, $0x1;
	s10 =	sld [smem:$0x3FB8];
	_ =	sdelay $0x3  }
0x37: {  	[smem:$0x3FB8] =	sst s10  }
0x38: {  	s10 =	sld [smem:$0x3FB9]  }
0x39: {  	_ = 	snop;
	(pc) =	sbr.ind lr, $3  }
0x3a: {  	_ = 	snop  }
0x3b: {  	_ = 	snop  }
0x3c: {  	p2 =	seq.s32 s10, $0x1;
	s10 =	sld [smem:$0x3FB8]  }
0x3d: {  	_ =	shalt  }
0x3e: {  	_ =	shalt  }
0x3f: {  	_ =	shalt  }
0x40: {  	_ =	shalt  }
0x41: {  	_ =	shalt  }
0x42: {  	_ =	shalt  }
0x43: {  	_ =	shalt  }
0x44: {  	_ =	shalt  }
0x45: {  	_ =	shalt  }
0x46: {  	_ =	shalt  }
0x47: {  	_ =	shalt  }
0x48: {  	_ =	shalt  }
0x49: {  	_ =	shalt  }
0x4a: {  	_ =	shalt  }
0x4b: {  	_ =	shalt  }
0x4c: {  	_ =	shalt  }
0x4d: {  	_ =	shalt  }
0x4e: {  	_ =	shalt  }
0x4f: {  	_ =	shalt  }
0x50: {  	_ =	shalt  }
0x51: {  	_ =	shalt  }
0x52: {  	_ =	shalt  }
0x53: {  	_ =	shalt  }
0x54: {  	_ =	shalt  }
0x55: {  	_ =	shalt  }
0x56: {  	_ =	shalt  }
0x57: {  	_ =	shalt  }
0x58: {  	_ =	shalt  }
0x59: {  	_ =	shalt  }
0x5a: {  	_ =	shalt  }
0x5b: {  	_ =	shalt  }
0x5c: {  	_ =	shalt  }
0x5d: {  	_ =	shalt  }
0x5e: {  	_ =	shalt  }
0x5f: {  	_ =	shalt  }
0x60: {  	_ =	shalt  }
0x61: {  	_ =	shalt  }
0x62: {  	_ =	shalt  }
0x63: {  	_ =	shalt  }
0x64: {  	_ =	shalt  }
0x65: {  	_ =	shalt  }
0x66: {  	_ =	shalt  }
0x67: {  	_ =	shalt  }
0x68: {  	_ =	shalt  }
0x69: {  	_ =	shalt  }
0x6a: {  	_ =	shalt  }
0x6b: {  	_ =	shalt  }
0x6c: {  	_ =	shalt  }
0x6d: {  	_ =	shalt  }
0x6e: {  	_ =	shalt  }
0x6f: {  	_ =	shalt  }
0x70: {  	_ =	shalt  }
0x71: {  	_ =	shalt  }
0x72: {  	_ =	shalt  }
0x73: {  	_ =	shalt  }
0x74: {  	_ =	shalt  }
0x75: {  	_ =	shalt  }
0x76: {  	_ =	shalt  }
0x77: {  	_ =	shalt  }
0x78: {  	_ =	shalt  }
0x79: {  	_ =	shalt  }
0x7a: {  	_ =	shalt  }
0x7b: {  	_ =	shalt  }
0x7c: {  	_ =	shalt  }
0x7d: {  	_ =	shalt  }
0x7e: {  	_ =	shalt  }
0x7f: {  	_ =	shalt  }
0x80: {  	_ =	shalt  }
0x81: {  	_ =	shalt  }
0x82: {  	_ =	shalt  }
0x83: {  	_ =	shalt  }
0x84: {  	_ =	shalt  }
0x85: {  	_ =	shalt  }
0x86: {  	_ =	shalt  }
0x87: {  	_ =	shalt  }
.Lfunc_end0:
.L_simem_size_0:
called_computation.1_lowered:
.L_overlay_start_0:
0x88: {  	s2 =	sld [smem:$0x3FD9]  }
0x89: {  	s3 =	sld [smem:$0x3FFE];
	_ =	sdelay $0x1  }
0x8a: {  	s1 =	srdreg.scid  }
0x8b: {  	s0 =	sand.u32 $0x1, s1  }
0x8c: {  	s17 =	sshll.u32 s0, $0xA;
	s2 =	sadd.s32 s3, s2  }
0x8d: {  	s2 =	sadd.s32 s2, s17  }
0x8e: {  	[smem:$0x3FC4] =	sst s2  }
0x8f: {  	_ = 	snop  }
0x90: {  	s2 =	sld [smem:$0x3FD0];
	(tm) =	ssettm $0x1  }
0x91: {  	s18 =	sld [smem:$0x3FFB];
	_ =	sdelay $0x3  }
0x92: {  	_ =	strace s18  }
0x93: {  	s3 =	sld [smem:$0x3FFC];
	_ =	sdelay $0x3  }
0x94: {  	_ =	strace s3  }
0x95: {  	s3 =	sld [smem:$0x3FFD];
	_ =	sdelay $0x3  }
0x96: {  	_ =	strace s3  }
0x97: {  	_ =	strace $0x8FFFFFFF  }
0x98: {  	s19 =	sld [smem:$0x3FDB];
	_ =	sdelay $0x1  }
0x99: {  	s4 =	simm.s32 $_scs_section_size  }
0x9a: {  	s5 =	simm.s32 $_size__tile_overlayer_lowered;
	s6 =	simm.s32 $_tile_overlayer_lowered  }
0x9b: {  	s22 =	simm.s32 $0x1BFF;
	s21 =	sshll.u32 s6, $0x1;
	s3 =	sadd.s32 s4, s19  }
0x9c: {  	s7 =	simm.s32 $0x0;
	s20 =	sshll.u32 s5, $0x1;
	s5 =	sadd.s32 s21, s3  }
0x9d: {  	[timem:s7], [sflag:s22] =	dma.local [hbm:s5], s20  }
0x9e: {  	_ =	swait.ge [sflag:s22], s20  }
0x9f: {  	s4 =	ssub.s32 $0x0, s20;
	[sflag:s22] =	ssyncset.done $0x0  }
0xa0: {  	[sflag:s22] =	ssyncadd.s32 s4;
	_ =	sdelay $0x1  }
0xa1: {  	s23 =	simm.s32 $0x1B8B  }
0xa2: {  	_ =	swait.ge [sflag:s23], $0x1  }
0xa3: {  	[sflag:s23] =	ssyncset.done $0x0  }
0xa4: {  	s25 =	simm.s32 $0x1B8E;
	s24 =	sld [smem:$0x3FFE];
	[sflag:s23] =	ssyncadd.s32 $0xFFFFFFFF  }
0xa5: {  	s26 =	simm.s32 $execute0_lowered;
	[smem:$0x3FD2] =	sst s25  }
0xa6: {  	s5 =	sshll.u32 s26, $0x1;
	_ =	strace $0x80000049;
	[dreg:$0x1] =	wrdreg $0xFFFFFFFF  }
0xa7: {  	s28 =	simm.s32 $_size_execute0_lowered;
	s3 =	sadd.s32 s3, s5;
	[dreg:$0x0] =	wrdreg $0x0  }
0xa8: {  	s5 =	sshll.u32 s28, $0x1;
	[dreg:$0x2] =	wrdreg s3  }
0xa9: {  	[dreg:$0x3] =	wrdreg s5  }
0xaa: {  	[dreg:$0x4] =	wrdreg $0xC0  }
0xab: {  	_ =	task [dreg:s7], $0x5FFFF  }
0xac: {  	[dreg:$0x1] =	wrdreg $0xFFFFFFFF  }
0xad: {  	[dreg:$0x0] =	wrdreg $0x60  }
0xae: {  	[dreg:$0x2] =	wrdreg s24  }
0xaf: {  	[dreg:$0x3] =	wrdreg s2  }
0xb0: {  	[dreg:$0x4] =	wrdreg $0xA8000  }
0xb1: {  	[dreg:$0x5] =	wrdreg $0x9  }
0xb2: {  	_ =	task.clear_ibuf [dreg:s7], $0x6FFFF;
	_ =	strace $0x90000049  }
0xb3: {  	s29 =	simm.s32 $0x9;
	_ =	strace $0x8000004B  }
0xb4: {  	_ =	swait.ge [sflag:s29], $0x1  }
0xb5: {  	[sflag:s29] =	ssyncadd.s32 $0xFFFFFFFF  }
0xb6: {  	_ =	strace $0x9000004B  }
0xb7: {  	_ =	sfence  }
0xb8: {  	s30 =	sld [smem:$0x0];
	_ =	sdelay $0x2  }
0xb9: {  	s31 =	sshll.u32 s1, $0xD;
	s1 =	sshrl.u32 s1, $0x2  }
0xba: {  	s3 =	sand.u32 $0x4000, s31;
	s1 =	sadd.s32 s1, s30  }
0xbb: {  	s0 =	sor.u32 s3, s0;
	s1 =	sshll.u32 s1, $0x11  }
0xbc: {  	s0 =	sor.u32 s1, s0  }
0xbd: {  	s0 =	sadd.s32 $0x8F2B, s0  }
0xbe: {  	[sflag:s0] =	ssyncadd.remote.s32 $0x1  }
0xbf: {  	_ =	sfence.sel $0xFFFF  }
0xc0: {  	[dreg:$0x0] =	wrdreg $0xFFFFFFFF;
	(pc) =	sbr.abs _section_cstart, $3  }
0xc1: {  	[dreg:$0x1] =	wrdreg $0xFFFFFFFF  }
0xc2: {  	_ =	task.clear_ibuf [dreg:s7], $0x2FFFF;
	_ =	strace $0x9FFFFFFF  }
0xc3: {  	(tm) =	ssettm $0x7FFFFFFF  }
tec
execute0_lowered:
.L_overlay_start_1:
0x0: {  	(tag) =	ssettag $0x1  }
0x1: {  	s6 =	rddreg [dreg:$0x0]  }
0x2: {  	s12 =	rddreg [dreg:$0x1]  }
0x3: {  	s1 =	rddreg [dreg:$0x2];
	s2 =	srdreg.scid  }
0x4: {  	s0 =	rddreg [dreg:$0x3];
	s3 =	simm.s32 $0x0;
	s15 =	simm.s32 $0x1400  }
0x5: {  	s16 =	simm.s32 $0x80;
	s17 =	simm.s32 $0x2800;
	s18 =	simm.s32 $0x6800  }
0x6: {  	s19 =	simm.s32 $0x1;
	s20 =	simm.s32 $0x2;
	s21 =	simm.s32 $0x0  }
0x7: {  	s7 =	sand.u32 $0x1, s2;
	s2 =	stileid.u32;
	[smem:$0x7FF] =	sst s3  }
0x8: {  	s4 =	sadd.s32 $0xBC00, s6;
	s11 =	sadd.s32 $0x1C00, s6;
	s8 =	smul.u32 $0x140000, s7  }
0x9: {  	s5 =	sadd.s32 $0x33C00, s6;
	s9 =	smul.u32 $0x14000, s2;
	_ =	strace $0x8000004A  }
0xa: {  	s26 =	sshll.u32 s2, $0x1;
	s10 =	smul.u32 $0x50000, s2;
	s28 =	ssub.s32 $0x2, s7  }
0xb: {  	s30 =	sshll.u32 s2, $0x6;
	s7 =	sor.u32 s7, s26;
	s29 =	sshrl.u32 s28, $0x1  }
0xc: {  	s8 =	sadd.s32 s9, s8;
	s10 =	sshrl.u32 s10, $0x2;
	s13 =	smul.u32 $0x2800, s7  }
0xd: {  	s9 =	ssub.s32 s28, s29;
	s8 =	sshrl.u32 s8, $0x3;
	s14 =	sadd.s32 s10, s1  }
0xe: {  	s8 =	sadd.s32 s8, s6;
	s6 =	sor.u32 $0x1C03, s30;
	s31 =	sshrl.u32 s13, $0x3  }
0xf: {  	s7 =	sadd.s32 $0x36400, s8;
	s8 =	smax.u32 s9, $0x1;
	s13 =	sadd.s32 $0x280, s31  }
0x10: {  	s9 =	sadd.s32 s11, s31;
	s10 =	sadd.s32 s12, s31;
	s11 =	sadd.s32 s11, s13  }
0x11: {  	s12 =	sadd.s32 s12, s13;
	s13 =	sshrl.u32 s14, $0x3;
	s14 =	simm.s32 $0x3  }
.LBB2_1:
0x12: {  	[spmem:s13], [sflag:s6] =	dma.local [hbm:s5], $0x2800  }
0x13: {  	_ =	swait.ge [sflag:s14], $0x2800  }
0x14: {  	[sflag:s14] =	ssyncset.done $0x0  }
0x15: {  	[sflag:s14] =	ssyncadd.s32 $0xFFFFD800  }
0x16: {  	[bflag:$0x0] =	sbarrier.arrive $0xFFFF  }
0x17: {  	[tilespmem:s3], [sflag:$0x3] =	stream.linear.gather [hbm4b:s9+s3], $0x1400, $0x38;
	[tilespmem:$0x1E800] =	vst v63  }
0x18: {  	_ =	swait.ge [sflag:s14], $0x1400  }
0x19: {  	[sflag:s14] =	ssyncset.done $0x0  }
0x1a: {  	[sflag:s14] =	ssyncadd.s32 $0xFFFFEC00  }
0x1b: {  	[tilespmem:s15], [sflag:$0x3] =	stream.linear.gather [hbm4b:s10+s3], $0x1400, $0x38;
	[tilespmem:$0x1E800] =	vst v63  }
0x1c: {  	_ =	swait.ge [sflag:s14], $0x1400  }
0x1d: {  	[sflag:s14] =	ssyncset.done $0x0  }
0x1e: {  	s22 =	simm.s32 $0x0;
	[sflag:s14] =	ssyncadd.s32 $0xFFFFEC00  }
0x1f: {  	[tilespmem:s17], [sflag:$0x1] =	stream.indirect.gather [hbm4b:s4+s16], $0x80, s22, s16, $0xb8;
	[tilespmem:$0x1E800] =	vst v63  }
0x20: {  	s29 =	simm.s32 $0x80  }
0x21: {  	[tilespmem:s18], [sflag:$0x2] =	stream.indirect.gather [hbm4b:s4+s16], $0x80, s29, s16, $0xb8;
	[tilespmem:$0x1E800] =	vst v63  }
0x22: {  	_ =	swait.ge [sflag:s19], $0x4000  }
0x23: {  	[sflag:s19] =	ssyncset.done $0x0  }
0x24: {  	s30 =	simm.s32 $0x1400;
	[sflag:s19] =	ssyncadd.s32 $0xFFFFC000  }
0x25: {  	[spmem:s1] =	stream.indirect.scatter.add.f32 [tilespmem:s17], [sflag:$0x3], $0x80, s30, s16, $0xb8;
	[tilespmem:$0x1E800] =	vst v63  }
0x26: {  	_ =	swait.ge [sflag:s14], $0x4000  }
0x27: {  	[sflag:s14] =	ssyncset.done $0x0  }
0x28: {  	[sflag:s14] =	ssyncadd.s32 $0xFFFFC000  }
0x29: {  	_ =	swait.ge [sflag:s20], $0x4000  }
0x2a: {  	[sflag:s20] =	ssyncset.done $0x0  }
0x2b: {  	s31 =	simm.s32 $0x1480;
	[sflag:s20] =	ssyncadd.s32 $0xFFFFC000  }
0x2c: {  	[spmem:s1] =	stream.indirect.scatter.add.f32 [tilespmem:s18], [sflag:$0x3], $0x80, s31, s16, $0xb8;
	[tilespmem:$0x1E800] =	vst v63  }
0x2d: {  	_ =	swait.ge [sflag:s14], $0x4000  }
0x2e: {  	s23 =	simm.s32 $0x800;
	s22 =	simm.s32 $0x400;
	[sflag:s14] =	ssyncset.done $0x0  }
.LBB2_2:
0x2f: {  	s24 =	sshra.s32 s22, $0x2  }
0x30: {  	[sflag:s14] =	ssyncadd.s32 $0xFFFFC000;
	s22 =	smov.u32 s23;
	s25 =	sadd.s32 $0x400, s23  }
0x31: {  	[tilespmem:s17], [sflag:$0x1] =	stream.indirect.gather [hbm4b:s4+s16], $0x80, s24, s16, $0xb8;
	[tilespmem:$0x1E800] =	vst v63  }
0x32: {  	p0 =	sne.s32 s23, $0x4C00;
	s23 =	sadd.s32 $0x80, s24  }
0x33: {  	[tilespmem:s18], [sflag:$0x2] =	stream.indirect.gather [hbm4b:s4+s16], $0x80, s23, s16, $0xb8;
	[tilespmem:$0x1E800] =	vst v63  }
0x34: {  	_ =	swait.ge [sflag:s19], $0x4000  }
0x35: {  	[sflag:s19] =	ssyncset.done $0x0  }
0x36: {  	s23 =	sadd.s32 $0x1400, s24;
	[sflag:s19] =	ssyncadd.s32 $0xFFFFC000  }
0x37: {  	[spmem:s1] =	stream.indirect.scatter.add.f32 [tilespmem:s17], [sflag:$0x3], $0x80, s23, s16, $0xb8;
	[tilespmem:$0x1E800] =	vst v63  }
0x38: {  	_ =	swait.ge [sflag:s14], $0x4000  }
0x39: {  	[sflag:s14] =	ssyncset.done $0x0  }
0x3a: {  	[sflag:s14] =	ssyncadd.s32 $0xFFFFC000  }
0x3b: {  	_ =	swait.ge [sflag:s20], $0x4000  }
.Ltmp0:
0x3c: {  	[sflag:s20] =	ssyncset.done $0x0;
	(pc) =	sbr.rel @p0 .LBB2_2-.Ltmp0, $4  }
0x3d: {  	s23 =	sadd.s32 $0x1480, s24;
	[sflag:s20] =	ssyncadd.s32 $0xFFFFC000  }
0x3e: {  	[spmem:s1] =	stream.indirect.scatter.add.f32 [tilespmem:s18], [sflag:$0x3], $0x80, s23, s16, $0xb8;
	[tilespmem:$0x1E800] =	vst v63  }
0x3f: {  	_ =	swait.ge [sflag:s14], $0x4000  }
0x40: {  	s23 =	smov.u32 s25;
	[sflag:s14] =	ssyncset.done $0x0  }
0x41: {  	s22 =	sshra.s32 s22, $0x2;
	[sflag:s14] =	ssyncadd.s32 $0xFFFFC000  }
0x42: {  	[tilespmem:s17], [sflag:$0x1] =	stream.indirect.gather [hbm4b:s4+s16], $0x80, s22, s16, $0xb8;
	[tilespmem:$0x1E800] =	vst v63  }
0x43: {  	s23 =	sadd.s32 $0x80, s22  }
0x44: {  	[tilespmem:s18], [sflag:$0x2] =	stream.indirect.gather [hbm4b:s4+s16], $0x80, s23, s16, $0xb8;
	[tilespmem:$0x1E800] =	vst v63  }
0x45: {  	_ =	swait.ge [sflag:s19], $0x4000  }
0x46: {  	[sflag:s19] =	ssyncset.done $0x0  }
0x47: {  	s25 =	sadd.s32 $0x1400, s22;
	[sflag:s19] =	ssyncadd.s32 $0xFFFFC000  }
0x48: {  	[spmem:s1] =	stream.indirect.scatter.add.f32 [tilespmem:s17], [sflag:$0x3], $0x80, s25, s16, $0xb8;
	[tilespmem:$0x1E800] =	vst v63  }
0x49: {  	_ =	swait.ge [sflag:s14], $0x4000  }
0x4a: {  	[sflag:s14] =	ssyncset.done $0x0  }
0x4b: {  	[sflag:s14] =	ssyncadd.s32 $0xFFFFC000  }
0x4c: {  	_ =	swait.ge [sflag:s20], $0x4000  }
0x4d: {  	[sflag:s20] =	ssyncset.done $0x0  }
0x4e: {  	s22 =	sadd.s32 $0x1480, s22;
	[sflag:s20] =	ssyncadd.s32 $0xFFFFC000  }
0x4f: {  	[spmem:s1] =	stream.indirect.scatter.add.f32 [tilespmem:s18], [sflag:$0x3], $0x80, s22, s16, $0xb8;
	[tilespmem:$0x1E800] =	vst v63  }
0x50: {  	_ =	swait.ge [sflag:s14], $0x4000  }
0x51: {  	[sflag:s14] =	ssyncset.done $0x0  }
0x52: {  	s26 =	simm.s32 $0x0;
	[sflag:s14] =	ssyncadd.s32 $0xFFFFC000  }
0x53: {  	[tilespmem:s26], [sflag:$0x3] =	stream.linear.gather [hbm4b:s11+s26], $0x1400, $0x38;
	[tilespmem:$0x1E800] =	vst v63  }
0x54: {  	_ =	swait.ge [sflag:s14], $0x1400  }
0x55: {  	[sflag:s14] =	ssyncset.done $0x0  }
0x56: {  	[sflag:s14] =	ssyncadd.s32 $0xFFFFEC00  }
0x57: {  	[tilespmem:s15], [sflag:$0x3] =	stream.linear.gather [hbm4b:s12+s26], $0x1400, $0x38;
	[tilespmem:$0x1E800] =	vst v63  }
0x58: {  	_ =	swait.ge [sflag:s14], $0x1400  }
0x59: {  	[sflag:s14] =	ssyncset.done $0x0  }
0x5a: {  	s28 =	simm.s32 $0x0;
	[sflag:s14] =	ssyncadd.s32 $0xFFFFEC00  }
0x5b: {  	[tilespmem:s17], [sflag:$0x1] =	stream.indirect.gather [hbm4b:s4+s16], $0x80, s28, s16, $0xb8;
	[tilespmem:$0x1E800] =	vst v63  }
0x5c: {  	s29 =	simm.s32 $0x80  }
0x5d: {  	[tilespmem:s18], [sflag:$0x2] =	stream.indirect.gather [hbm4b:s4+s16], $0x80, s29, s16, $0xb8;
	[tilespmem:$0x1E800] =	vst v63  }
0x5e: {  	_ =	swait.ge [sflag:s19], $0x4000  }
0x5f: {  	[sflag:s19] =	ssyncset.done $0x0  }
0x60: {  	s30 =	simm.s32 $0x1400;
	[sflag:s19] =	ssyncadd.s32 $0xFFFFC000  }
0x61: {  	[spmem:s1] =	stream.indirect.scatter.add.f32 [tilespmem:s17], [sflag:$0x3], $0x80, s30, s16, $0xb8;
	[tilespmem:$0x1E800] =	vst v63  }
0x62: {  	_ =	swait.ge [sflag:s14], $0x4000  }
0x63: {  	[sflag:s14] =	ssyncset.done $0x0  }
0x64: {  	[sflag:s14] =	ssyncadd.s32 $0xFFFFC000  }
0x65: {  	_ =	swait.ge [sflag:s20], $0x4000  }
0x66: {  	[sflag:s20] =	ssyncset.done $0x0  }
0x67: {  	s31 =	simm.s32 $0x1480;
	[sflag:s20] =	ssyncadd.s32 $0xFFFFC000  }
0x68: {  	[spmem:s1] =	stream.indirect.scatter.add.f32 [tilespmem:s18], [sflag:$0x3], $0x80, s31, s16, $0xb8;
	[tilespmem:$0x1E800] =	vst v63  }
0x69: {  	_ =	swait.ge [sflag:s14], $0x4000  }
0x6a: {  	s23 =	simm.s32 $0x800;
	s22 =	simm.s32 $0x400;
	[sflag:s14] =	ssyncset.done $0x0  }
.LBB2_4:
0x6b: {  	s24 =	sshra.s32 s22, $0x2  }
0x6c: {  	[sflag:s14] =	ssyncadd.s32 $0xFFFFC000;
	s22 =	smov.u32 s23;
	s25 =	sadd.s32 $0x400, s23  }
0x6d: {  	[tilespmem:s17], [sflag:$0x1] =	stream.indirect.gather [hbm4b:s4+s16], $0x80, s24, s16, $0xb8;
	[tilespmem:$0x1E800] =	vst v63  }
0x6e: {  	p0 =	sne.s32 s23, $0x4C00;
	s23 =	sadd.s32 $0x80, s24  }
0x6f: {  	[tilespmem:s18], [sflag:$0x2] =	stream.indirect.gather [hbm4b:s4+s16], $0x80, s23, s16, $0xb8;
	[tilespmem:$0x1E800] =	vst v63  }
0x70: {  	_ =	swait.ge [sflag:s19], $0x4000  }
0x71: {  	[sflag:s19] =	ssyncset.done $0x0  }
0x72: {  	s23 =	sadd.s32 $0x1400, s24;
	[sflag:s19] =	ssyncadd.s32 $0xFFFFC000  }
0x73: {  	[spmem:s1] =	stream.indirect.scatter.add.f32 [tilespmem:s17], [sflag:$0x3], $0x80, s23, s16, $0xb8;
	[tilespmem:$0x1E800] =	vst v63  }
0x74: {  	_ =	swait.ge [sflag:s14], $0x4000  }
0x75: {  	[sflag:s14] =	ssyncset.done $0x0  }
0x76: {  	[sflag:s14] =	ssyncadd.s32 $0xFFFFC000  }
0x77: {  	_ =	swait.ge [sflag:s20], $0x4000  }
.Ltmp1:
0x78: {  	[sflag:s20] =	ssyncset.done $0x0;
	(pc) =	sbr.rel @p0 .LBB2_4-.Ltmp1, $4  }
0x79: {  	s23 =	sadd.s32 $0x1480, s24;
	[sflag:s20] =	ssyncadd.s32 $0xFFFFC000  }
0x7a: {  	[spmem:s1] =	stream.indirect.scatter.add.f32 [tilespmem:s18], [sflag:$0x3], $0x80, s23, s16, $0xb8;
	[tilespmem:$0x1E800] =	vst v63  }
0x7b: {  	_ =	swait.ge [sflag:s14], $0x4000  }
0x7c: {  	s23 =	smov.u32 s25;
	[sflag:s14] =	ssyncset.done $0x0  }
0x7d: {  	s22 =	sshra.s32 s22, $0x2;
	[sflag:s14] =	ssyncadd.s32 $0xFFFFC000  }
0x7e: {  	[tilespmem:s17], [sflag:$0x1] =	stream.indirect.gather [hbm4b:s4+s16], $0x80, s22, s16, $0xb8;
	[tilespmem:$0x1E800] =	vst v63  }
0x7f: {  	s23 =	sadd.s32 $0x80, s22  }
0x80: {  	[tilespmem:s18], [sflag:$0x2] =	stream.indirect.gather [hbm4b:s4+s16], $0x80, s23, s16, $0xb8;
	[tilespmem:$0x1E800] =	vst v63  }
0x81: {  	_ =	swait.ge [sflag:s19], $0x4000  }
0x82: {  	[sflag:s19] =	ssyncset.done $0x0  }
0x83: {  	s31 =	sadd.s32 $0x1400, s22;
	[sflag:s19] =	ssyncadd.s32 $0xFFFFC000  }
0x84: {  	[spmem:s1] =	stream.indirect.scatter.add.f32 [tilespmem:s17], [sflag:$0x3], $0x80, s31, s16, $0xb8;
	[tilespmem:$0x1E800] =	vst v63  }
0x85: {  	_ =	swait.ge [sflag:s14], $0x4000  }
0x86: {  	[sflag:s14] =	ssyncset.done $0x0  }
0x87: {  	[sflag:s14] =	ssyncadd.s32 $0xFFFFC000  }
0x88: {  	_ =	swait.ge [sflag:s20], $0x4000  }
0x89: {  	[sflag:s20] =	ssyncset.done $0x0  }
0x8a: {  	s22 =	sadd.s32 $0x1480, s22;
	[sflag:s20] =	ssyncadd.s32 $0xFFFFC000  }
0x8b: {  	[spmem:s1] =	stream.indirect.scatter.add.f32 [tilespmem:s18], [sflag:$0x3], $0x80, s22, s16, $0xb8;
	[tilespmem:$0x1E800] =	vst v63  }
0x8c: {  	_ =	swait.ge [sflag:s14], $0x4000  }
0x8d: {  	s21 =	sadd.s32 $0x1, s21;
	[sflag:s14] =	ssyncset.done $0x0  }
0x8e: {  	p0 =	sne.s32 s21, s8;
	[sflag:s14] =	ssyncadd.s32 $0xFFFFC000  }
.Ltmp2:
0x8f: {  	[bflag:$0x0] =	sbarrier.arrive $0xFFFF;
	(pc) =	sbr.rel @p0 .LBB2_1-.Ltmp2, $4  }
0x90: {  	[hbm:s7], [sflag:s6] =	dma.local [spmem:s13], $0x2800  }
0x91: {  	_ =	swait.ge [sflag:s14], $0x2800  }
0x92: {  	[sflag:s14] =	ssyncset.done $0x0  }
0x93: {  	[sflag:s14] =	ssyncadd.s32 $0xFFFFD800  }
0x94: {  	_ =	sfence.sel $0x180000  }
0x95: {  	[bflag:$0x0] =	sbarrier.arrive $0xFFFF  }
0x96: {  	p0 =	sne.s32 s2, $0x0;
	_ =	strace $0x9000004A  }
0x97: {  	s0 =	sadd.s32 @!p0 $0x100000, s0;
	[bflag:$0x2] =	sbarrier.arrive $0xFFFF  }
0x98: {  	[sflag:s0] =	ssyncadd.tile.s32 @!p0 $0x1;
	_ =	shalt  }
.Lfunc_end2:
_tile_overlayer_lowered:
.L_overlay_start_2:
0x99: {  	(tag) =	ssettag $0x2  }
0x9a: {  	s0 =	rddreg [dreg:$0x0];
	s2 =	stileid.u32  }
0x9b: {  	s1 =	rddreg [dreg:$0x1];
	p0 =	sne.s32 s2, $0x0  }
0x9c: {  	s3 =	rddreg [dreg:$0x2];
	[bflag:$0x3] =	sbarrier.arrive $0xFFFF;
	s2 =	simm.s32 @!p0 $0x1C03  }
0x9d: {  	[timem:s3], [sflag:s2] =	dma.local @!p0 [hbm:s0], s1  }
0x9e: {  	s0 =	simm.s32 @!p0 $0x3  }
0x9f: {  	_ =	swait.ge @!p0 [sflag:s0], s1  }
0xa0: {  	s1 =	ssub.s32 @!p0 $0x0, s1;
	[sflag:s0] =	ssyncset.done @!p0 $0x0  }
0xa1: {  	[sflag:s0] =	ssyncadd.s32 @!p0 s1  }
0xa2: {  	[bflag:$0x3] =	sbarrier.arrive $0xFFFF  }
0xa3: {  	_ =	shalt  }

</sc_bundles>
